<compile_context>
chip_gen: v7x
topology: tpu7x:2x2x1
jax: 0.10.2.dev20260603
libtpu: 0.0.44.dev20260713+nightly
codegen_flags: <defaults>
</compile_context>

<pallas_src>
import functools

import jax
import jax.numpy as jnp
import numpy as np
from jax import lax
from jax.experimental import pallas as pl
from jax.experimental.pallas import tpu as pltpu
from jax.experimental.pallas import tpu_sc as plsc

N = 10000
E = 320000
D = 128
NC = 2
NS = 16
NW = NC * NS
NP = 10240
RPT = NP // NS
CHH = 128
E2 = 327680
EPW = E2 // NW
NCHUNKH = EPW // CHH
CH = 64
NCHUNK = EPW // CH

_mesh = plsc.VectorSubcoreMesh(
    core_axis_name="c", subcore_axis_name="s", num_cores=NC, num_subcores=NS)


@functools.partial(
    pl.kernel,
    out_type=jax.ShapeDtypeStruct((NC, NP), jnp.float32),
    mesh=_mesh,
    scratch_types=[
        pltpu.VMEM((NCHUNKH, CHH), jnp.int32),
        pltpu.VMEM((CHH,), jnp.float32),
        pltpu.VMEM((RPT,), jnp.float32),
        pltpu.VMEM_SHARED((NP,), jnp.float32),
        pltpu.SemaphoreType.DMA,
    ],
)
def _hist_kernel(eh_hbm, cnt_hbm, idx2, ones_v, zbuf, hist_sh, sem):
    c = lax.axis_index("c")
    t = lax.axis_index("s")
    one16 = jnp.ones((16,), jnp.float32)
    zero16 = jnp.zeros((16,), jnp.float32)
    for i in range(8):
        ones_v[pl.ds(16 * i, 16)] = one16

    def zinit(i, _):
        zbuf[pl.ds(i * 16, 16)] = zero16
        return 0
    lax.fori_loop(0, RPT // 16, zinit, 0)
    pltpu.sync_copy(zbuf, hist_sh.at[pl.ds(t * RPT, RPT)])
    w = c * NS + t
    pltpu.sync_copy(eh_hbm.at[0, pl.ds(w * NCHUNKH, NCHUNKH)], idx2)
    plsc.subcore_barrier()

    def fire(i, _):
        pltpu.async_copy(ones_v, hist_sh.at[idx2.at[i]], sem, add=True)
        return 0
    lax.fori_loop(0, NCHUNKH, fire, 0)

    def drain(i, _):
        pltpu.make_async_copy(ones_v, hist_sh.at[idx2.at[0]], sem).wait()
        return 0
    lax.fori_loop(0, NCHUNKH, drain, 0)
    plsc.subcore_barrier()
    pltpu.sync_copy(hist_sh.at[pl.ds(t * RPT, RPT)],
                    cnt_hbm.at[c, pl.ds(t * RPT, RPT)])


@functools.partial(
    pl.kernel,
    out_type=jax.ShapeDtypeStruct((NC, NP, D), jnp.float32),
    mesh=_mesh,
    scratch_types=[
        pltpu.VMEM((NCHUNK // 2, CH), jnp.int32),
        pltpu.VMEM((NCHUNK // 2, CH), jnp.int32),
        [pltpu.VMEM((CH, D), jnp.float32) for _ in range(3)],
        pltpu.VMEM_SHARED((NP, D), jnp.float32),
        [pltpu.SemaphoreType.DMA for _ in range(3)],
        [pltpu.SemaphoreType.DMA for _ in range(3)],
    ],
)
def _spmm_kernel(x_hbm, e_hbm, y_hbm,
                 cidxh, ridxh, bufs, acc_sh, sem_g, sem_s):
    c = lax.axis_index("c")
    t = lax.axis_index("s")
    w = c * NS + t
    HC = NCHUNK // 2
    z16 = jnp.zeros((16,), jnp.float32)

    def zinit(i, _):
        bufs[0][i // 8, pl.ds(16 * (i % 8), 16)] = z16
        return 0
    lax.fori_loop(0, CH * D // 16, zinit, 0)
    for k in range(RPT // CH):
        pltpu.sync_copy(bufs[0], acc_sh.at[pl.ds(t * RPT + k * CH, CH)])
    plsc.subcore_barrier()

    for half in range(2):
        cb = w * NCHUNK + half * HC
        pltpu.sync_copy(e_hbm.at[1, pl.ds(cb, HC)], cidxh)
        pltpu.sync_copy(e_hbm.at[0, pl.ds(cb, HC)], ridxh)
        pltpu.async_copy(x_hbm.at[cidxh.at[0]], bufs[0], sem_g[0])
        pltpu.async_copy(x_hbm.at[cidxh.at[1]], bufs[1], sem_g[1])

        def chunk(i, _):
            def step(b):
                buf = bufs[b]
                pltpu.make_async_copy(x_hbm.at[pl.ds(0, CH)], buf,
                                      sem_g[b]).wait()
                pltpu.async_copy(buf, acc_sh.at[ridxh.at[i]], sem_s[b],
                                 add=True)
                b2 = (b + 2) % 3

                @pl.when(i >= 1)
                def _():
                    pltpu.make_async_copy(bufs[b2], acc_sh.at[ridxh.at[i]],
                                          sem_s[b2]).wait()

                @pl.when(i + 2 < HC)
                def _():
                    pltpu.async_copy(x_hbm.at[cidxh.at[i + 2]], bufs[b2],
                                     sem_g[b2])

            for b in range(3):
                @pl.when(i % 3 == b)
                def _(b=b):
                    step(b)
            return 0
        lax.fori_loop(0, HC, chunk, 0)
        pltpu.make_async_copy(bufs[(HC - 1) % 3], acc_sh.at[ridxh.at[0]],
                              sem_s[(HC - 1) % 3]).wait()
    plsc.subcore_barrier()
    pltpu.sync_copy(acc_sh.at[pl.ds(t * RPT, RPT)],
                    y_hbm.at[c, pl.ds(t * RPT, RPT)])


_BR = 2000

_DIS_C = 0.7071067811865476


def _combine_body(cnt_ref, y_ref, x_ref, h_ref):
    cnt = cnt_ref[0] + cnt_ref[1]
    deg = cnt + 1.0
    inv = 1.0 / (deg + 1e-8)
    deg2 = deg * inv + 1.0
    dis = lax.rsqrt(deg2 + 1e-8)
    a2 = dis * inv * _DIS_C
    b = dis * dis * (inv + 1.0)
    y = y_ref[0] + y_ref[1]
    h_ref[...] = a2 * y + b * x_ref[...]


_combine_call = pl.pallas_call(
    _combine_body,
    grid=(N // _BR,),
    in_specs=[
        pl.BlockSpec((NC, _BR, 1), lambda i: (0, i, 0)),
        pl.BlockSpec((NC, _BR, D), lambda i: (0, i, 0)),
        pl.BlockSpec((_BR, D), lambda i: (i, 0)),
    ],
    out_specs=pl.BlockSpec((_BR, D), lambda i: (i, 0)),
    out_shape=jax.ShapeDtypeStruct((N, D), jnp.float32),
)

_PAD_R = np.asarray(
    N + (np.arange(E2 - E, dtype=np.int32) % (NP - N)), dtype=np.int32)
_PAD_C = np.asarray(np.arange(E2 - E, dtype=np.int32) % N, dtype=np.int32)


def kernel(x, edge_index):
    ep = jnp.concatenate([edge_index, jnp.stack([_PAD_R, _PAD_C])], axis=1)
    cnt = _hist_kernel(ep.reshape(2, E2 // CHH, CHH))
    y = _spmm_kernel(x, ep.reshape(2, E2 // CH, CH))
    h = _combine_call(cnt.reshape(NC, NP, 1), y, x)
    return h

# --- scband reference (transcript-rebuilt; emitter-appended) ---
"""Pipeline reference for scband-light-gcn-50964081935596 (READ-ONLY COPY).

The authoritative reference and input builder live on the scoring server;
editing this copy changes nothing except your own understanding.
"""

import jax, jax.numpy as jnp
import numpy as np

N_NODES = 10000
N_EDGES = 320000
D_FEAT = 128


def setup_inputs(seed: int = 0) -> dict:
    key = jax.random.key(seed)
    k1, k2 = jax.random.split(key)
    x = jax.random.normal(k1, (N_NODES, D_FEAT), dtype=jnp.float32)
    edge_index = jax.random.randint(k2, (2, N_EDGES), 0, N_NODES, dtype=jnp.int32)
    return {"x": x, "edge_index": edge_index}


def reference(x, edge_index):
    # LightGCN forward: h = gcn_norm(D^-1 (A + I)) @ x, with renorm self-loop trick
    N = x.shape[0]
    row = edge_index[0]
    col = edge_index[1]
    sl = jnp.arange(N, dtype=edge_index.dtype)
    # SparseAdj.add_self_loop(): append self-loop edges with weight 1
    row1 = jnp.concatenate([row, sl])
    col1 = jnp.concatenate([col, sl])
    w1 = jnp.ones(row1.shape[0], dtype=x.dtype)
    # deg = unsorted_segment_sum(edge_weight, edge_index[0], num_nodes)
    deg = jax.ops.segment_sum(w1, row1, num_segments=N)
    inv_deg = 1.0 / (deg + 1e-8)
    # transition = adj.rmatmul_diag(inv_deg): scale row i by inv_deg[i]
    w_t = w1 * inv_deg[row1]
    # gcn_norm_adj with renorm trick: add self-loops (weight 1) again, then D^-1/2 A D^-1/2
    row2 = jnp.concatenate([row1, sl])
    col2 = jnp.concatenate([col1, sl])
    w2 = jnp.concatenate([w_t, jnp.ones(N, dtype=x.dtype)])
    deg2 = jax.ops.segment_sum(w2, row2, num_segments=N)
    deg_inv_sqrt = jnp.where(deg2 > 0, jax.lax.rsqrt(deg2 + 1e-8), 0.0)
    wn = deg_inv_sqrt[row2] * w2 * deg_inv_sqrt[col2]
    # h = normed_adj @ x  (SpMM as gather + scatter-add)
    gathered = wn[:, None] * jnp.take(x, col2, axis=0)
    h = jax.ops.segment_sum(gathered, row2, num_segments=N)
    return h

if __name__ == "__main__":
    import jax
    _d = setup_inputs()
    print(jax.jit(kernel)(*tuple(_d.values())))

</pallas_src>

<mosaic_0001>
#map = affine_map<(d0, d1) -> (0, 0, 0)>
#map1 = affine_map<(d0, d1) -> (0, 0)>
module attributes {stable_mosaic.version = 14 : i64} {
  func.func @_hist_kernel(%arg0: i32, %arg1: i32, %arg2: memref<2x2560x128xi32, #tpu.memory_space<hbm>>, %arg3: memref<2x10240xf32, #tpu.memory_space<hbm>>, %arg4: memref<80x128xi32, #tpu.memory_space<vmem>>, %arg5: memref<128xf32, #tpu.memory_space<vmem>>, %arg6: memref<640xf32, #tpu.memory_space<vmem>>, %arg7: memref<10240xf32, #tpu.memory_space<vmem_shared>>, %arg8: memref<!tpu.dma_semaphore, #tpu.memory_space<semaphore_mem>>) attributes {dimension_semantics = [#tpu.dimension_semantics<core_parallel>, #tpu.dimension_semantics<subcore_parallel>], iteration_bounds = array<i64: 2, 16>, scalar_prefetch = 0 : i64, scratch_operands = 5 : i64, tpu.core_type = #tpu.core_type<sc_vector_subcore>, window_params = [{transform_indices = #map}, {transform_indices = #map1}]} {
    %broadcast_in_dim3A = arith.constant 1.000000e+00 : f32
    %broadcast_in_dim3A_0 = vector.broadcast %broadcast_in_dim3A : f32 to vector<16xf32>
    %broadcast_in_dim3A_1 = arith.constant 0.000000e+00 : f32
    %broadcast_in_dim3A_2 = vector.broadcast %broadcast_in_dim3A_1 : f32 to vector<16xf32>
    %swap3A = arith.constant 0 : index
    %swap3A_3 = tpu.vector_load %arg5[%swap3A] {strides = array<i32>} : memref<128xf32, #tpu.memory_space<vmem>>, vector<16xf32>,
    %swap3A_4 = vector.shape_cast %swap3A_3 : vector<16xf32> to vector<16xf32>
    %swap3A_5 = vector.shape_cast %broadcast_in_dim3A_0 : vector<16xf32> to vector<16xf32>
    tpu.vector_store %arg5[%swap3A], %swap3A_5 {strides = array<i32>} : memref<128xf32, #tpu.memory_space<vmem>>, vector<16xf32>,
    %swap3A_6 = arith.constant 16 : index
    %swap3A_7 = tpu.vector_load %arg5[%swap3A_6] {strides = array<i32>} : memref<128xf32, #tpu.memory_space<vmem>>, vector<16xf32>,
    %swap3A_8 = vector.shape_cast %swap3A_7 : vector<16xf32> to vector<16xf32>
    %swap3A_9 = vector.shape_cast %broadcast_in_dim3A_0 : vector<16xf32> to vector<16xf32>
    tpu.vector_store %arg5[%swap3A_6], %swap3A_9 {strides = array<i32>} : memref<128xf32, #tpu.memory_space<vmem>>, vector<16xf32>,
    %swap3A_10 = arith.constant 32 : index
    %swap3A_11 = tpu.vector_load %arg5[%swap3A_10] {strides = array<i32>} : memref<128xf32, #tpu.memory_space<vmem>>, vector<16xf32>,
    %swap3A_12 = vector.shape_cast %swap3A_11 : vector<16xf32> to vector<16xf32>
    %swap3A_13 = vector.shape_cast %broadcast_in_dim3A_0 : vector<16xf32> to vector<16xf32>
    tpu.vector_store %arg5[%swap3A_10], %swap3A_13 {strides = array<i32>} : memref<128xf32, #tpu.memory_space<vmem>>, vector<16xf32>,
    %swap3A_14 = arith.constant 48 : index
    %swap3A_15 = tpu.vector_load %arg5[%swap3A_14] {strides = array<i32>} : memref<128xf32, #tpu.memory_space<vmem>>, vector<16xf32>,
    %swap3A_16 = vector.shape_cast %swap3A_15 : vector<16xf32> to vector<16xf32>
    %swap3A_17 = vector.shape_cast %broadcast_in_dim3A_0 : vector<16xf32> to vector<16xf32>
    tpu.vector_store %arg5[%swap3A_14], %swap3A_17 {strides = array<i32>} : memref<128xf32, #tpu.memory_space<vmem>>, vector<16xf32>,
    %swap3A_18 = arith.constant 64 : index
    %swap3A_19 = tpu.vector_load %arg5[%swap3A_18] {strides = array<i32>} : memref<128xf32, #tpu.memory_space<vmem>>, vector<16xf32>,
    %swap3A_20 = vector.shape_cast %swap3A_19 : vector<16xf32> to vector<16xf32>
    %swap3A_21 = vector.shape_cast %broadcast_in_dim3A_0 : vector<16xf32> to vector<16xf32>
    tpu.vector_store %arg5[%swap3A_18], %swap3A_21 {strides = array<i32>} : memref<128xf32, #tpu.memory_space<vmem>>, vector<16xf32>,
    %swap3A_22 = arith.constant 80 : index
    %swap3A_23 = tpu.vector_load %arg5[%swap3A_22] {strides = array<i32>} : memref<128xf32, #tpu.memory_space<vmem>>, vector<16xf32>,
    %swap3A_24 = vector.shape_cast %swap3A_23 : vector<16xf32> to vector<16xf32>
    %swap3A_25 = vector.shape_cast %broadcast_in_dim3A_0 : vector<16xf32> to vector<16xf32>
    tpu.vector_store %arg5[%swap3A_22], %swap3A_25 {strides = array<i32>} : memref<128xf32, #tpu.memory_space<vmem>>, vector<16xf32>,
    %swap3A_26 = arith.constant 96 : index
    %swap3A_27 = tpu.vector_load %arg5[%swap3A_26] {strides = array<i32>} : memref<128xf32, #tpu.memory_space<vmem>>, vector<16xf32>,
    %swap3A_28 = vector.shape_cast %swap3A_27 : vector<16xf32> to vector<16xf32>
    %swap3A_29 = vector.shape_cast %broadcast_in_dim3A_0 : vector<16xf32> to vector<16xf32>
    tpu.vector_store %arg5[%swap3A_26], %swap3A_29 {strides = array<i32>} : memref<128xf32, #tpu.memory_space<vmem>>, vector<16xf32>,
    %swap3A_30 = arith.constant 112 : index
    %swap3A_31 = tpu.vector_load %arg5[%swap3A_30] {strides = array<i32>} : memref<128xf32, #tpu.memory_space<vmem>>, vector<16xf32>,
    %swap3A_32 = vector.shape_cast %swap3A_31 : vector<16xf32> to vector<16xf32>
    %swap3A_33 = vector.shape_cast %broadcast_in_dim3A_0 : vector<16xf32> to vector<16xf32>
    tpu.vector_store %arg5[%swap3A_30], %swap3A_33 {strides = array<i32>} : memref<128xf32, #tpu.memory_space<vmem>>, vector<16xf32>,
    %scan3A = arith.constant 0 : i32
    %scan3A_34 = arith.constant 0 : i32
    %scan3A_35 = arith.constant 40 : i32
    %scan3A_36 = arith.addi %scan3A_34, %scan3A_35 : i32
    %scan3A_37 = arith.constant 1 : i32
    %scan3A_38 = scf.for %scan3A_64 = %scan3A_34 to %scan3A_36 step %scan3A_37 iter_args(%scan3A_65 = %scan3A) -> (i32)  : i32 {
      %mul3A_66 = arith.constant 16 : i32
      %mul3A_67 = arith.muli %scan3A_64, %mul3A_66 : i32
      %swap3A_68 = arith.index_cast %mul3A_67 : i32 to index
      %swap3A_69 = tpu.vector_load %arg6[%swap3A_68] {strides = array<i32>} : memref<640xf32, #tpu.memory_space<vmem>>, vector<16xf32>,
      %swap3A_70 = vector.shape_cast %swap3A_69 : vector<16xf32> to vector<16xf32>
      %swap3A_71 = vector.shape_cast %broadcast_in_dim3A_2 : vector<16xf32> to vector<16xf32>
      tpu.vector_store %arg6[%swap3A_68], %swap3A_71 {strides = array<i32>} : memref<640xf32, #tpu.memory_space<vmem>>, vector<16xf32>,
      %scan3A_72 = arith.constant 0 : i32
      scf.yield %scan3A_72 : i32
    }
    %scan3A_39 = arith.constant 40 : i32
    %mul3A = arith.constant 640 : i32
    %mul3A_40 = arith.muli %arg1, %mul3A : i32
    "tpu.region"() ({
      %run_scoped3A_64 = tpu.sem_alloc : memref<!tpu.dma_semaphore, #tpu.memory_space<semaphore_mem>>
      %dma_start3A = tpu.memref_slice %arg7[%mul3A_40] : memref<10240xf32, #tpu.memory_space<vmem_shared>> -> memref<640xf32, #tpu.memory_space<vmem_shared>>
      %dma_start3A_65 = tpu.memref_slice %arg7[%mul3A_40] : memref<10240xf32, #tpu.memory_space<vmem_shared>> -> memref<640xf32, #tpu.memory_space<vmem_shared>>
      tpu.enqueue_dma source(%arg6 : memref<640xf32, #tpu.memory_space<vmem>>) target(%dma_start3A_65 : memref<640xf32, #tpu.memory_space<vmem_shared>>) target_semaphore(%run_scoped3A_64 : memref<!tpu.dma_semaphore, #tpu.memory_space<semaphore_mem>>)
      %dma_wait3A = tpu.memref_slice %arg7[%mul3A_40] : memref<10240xf32, #tpu.memory_space<vmem_shared>> -> memref<640xf32, #tpu.memory_space<vmem_shared>>
      %dma_wait3A_66 = tpu.memref_slice %arg7[%mul3A_40] : memref<10240xf32, #tpu.memory_space<vmem_shared>> -> memref<640xf32, #tpu.memory_space<vmem_shared>>
      tpu.wait_dma2 semaphore(%run_scoped3A_64 : memref<!tpu.dma_semaphore, #tpu.memory_space<semaphore_mem>>) src(%arg6 : memref<640xf32, #tpu.memory_space<vmem>>) dst(%dma_wait3A_66 : memref<640xf32, #tpu.memory_space<vmem_shared>>)
      tpu.yield
    }) : () -> ()
    %mul3A_41 = arith.constant 16 : i32
    %mul3A_42 = arith.muli %arg0, %mul3A_41 : i32
    %add3A = arith.addi %mul3A_42, %arg1 : i32
    %mul3A_43 = arith.constant 80 : i32
    %mul3A_44 = arith.muli %add3A, %mul3A_43 : i32
    %run_scoped3A = arith.constant 0 : i32
    "tpu.region"() ({
      %run_scoped3A_64 = tpu.sem_alloc : memref<!tpu.dma_semaphore, #tpu.memory_space<semaphore_mem>>
      %dma_start3A = arith.constant 0 : i32
      %dma_start3A_65 = tpu.memref_slice %arg2[%run_scoped3A, %mul3A_44, %dma_start3A] : memref<2x2560x128xi32, #tpu.memory_space<hbm>> -> memref<1x80x128xi32, #tpu.memory_space<hbm>>
      %dma_start3A_66 = tpu.memref_squeeze %dma_start3A_65 : memref<1x80x128xi32, #tpu.memory_space<hbm>> -> memref<80x128xi32, #tpu.memory_space<hbm>>
      %dma_start3A_67 = arith.constant 0 : i32
      %dma_start3A_68 = tpu.memref_slice %arg2[%run_scoped3A, %mul3A_44, %dma_start3A_67] : memref<2x2560x128xi32, #tpu.memory_space<hbm>> -> memref<1x80x128xi32, #tpu.memory_space<hbm>>
      %dma_start3A_69 = tpu.memref_squeeze %dma_start3A_68 : memref<1x80x128xi32, #tpu.memory_space<hbm>> -> memref<80x128xi32, #tpu.memory_space<hbm>>
      tpu.enqueue_dma source(%dma_start3A_69 : memref<80x128xi32, #tpu.memory_space<hbm>>) target(%arg4 : memref<80x128xi32, #tpu.memory_space<vmem>>) target_semaphore(%run_scoped3A_64 : memref<!tpu.dma_semaphore, #tpu.memory_space<semaphore_mem>>)
      %dma_wait3A = arith.constant 0 : i32
      %dma_wait3A_70 = tpu.memref_slice %arg2[%run_scoped3A, %mul3A_44, %dma_wait3A] : memref<2x2560x128xi32, #tpu.memory_space<hbm>> -> memref<1x80x128xi32, #tpu.memory_space<hbm>>
      %dma_wait3A_71 = tpu.memref_squeeze %dma_wait3A_70 : memref<1x80x128xi32, #tpu.memory_space<hbm>> -> memref<80x128xi32, #tpu.memory_space<hbm>>
      %dma_wait3A_72 = arith.constant 0 : i32
      %dma_wait3A_73 = tpu.memref_slice %arg2[%run_scoped3A, %mul3A_44, %dma_wait3A_72] : memref<2x2560x128xi32, #tpu.memory_space<hbm>> -> memref<1x80x128xi32, #tpu.memory_space<hbm>>
      %dma_wait3A_74 = tpu.memref_squeeze %dma_wait3A_73 : memref<1x80x128xi32, #tpu.memory_space<hbm>> -> memref<80x128xi32, #tpu.memory_space<hbm>>
      tpu.wait_dma2 semaphore(%run_scoped3A_64 : memref<!tpu.dma_semaphore, #tpu.memory_space<semaphore_mem>>) src(%dma_wait3A_74 : memref<80x128xi32, #tpu.memory_space<hbm>>) dst(%arg4 : memref<80x128xi32, #tpu.memory_space<vmem>>)
      tpu.yield
    }) : () -> ()
    %barrier3A = arith.constant 0 : index
    tpu.barrier barrier_id(%barrier3A)
    %scan3A_45 = arith.constant 0 : i32
    %scan3A_46 = arith.constant 0 : i32
    %scan3A_47 = arith.constant 80 : i32
    %scan3A_48 = arith.addi %scan3A_46, %scan3A_47 : i32
    %scan3A_49 = arith.constant 1 : i32
    %scan3A_50 = scf.for %scan3A_64 = %scan3A_46 to %scan3A_48 step %scan3A_49 iter_args(%scan3A_65 = %scan3A_45) -> (i32)  : i32 {
      %dma_start3A = arith.constant 0 : i32
      %dma_start3A_66 = tpu.memref_slice %arg4[%scan3A_64, %dma_start3A] : memref<80x128xi32, #tpu.memory_space<vmem>> -> memref<1x128xi32, #tpu.memory_space<vmem>>
      %dma_start3A_67 = tpu.memref_squeeze %dma_start3A_66 : memref<1x128xi32, #tpu.memory_space<vmem>> -> memref<128xi32, #tpu.memory_space<vmem>>
      %dma_start3A_68 = arith.constant 0 : i32
      %dma_start3A_69 = tpu.memref_slice %arg7[%dma_start3A_68] : memref<10240xf32, #tpu.memory_space<vmem_shared>> -> memref<10240xf32, #tpu.memory_space<vmem_shared>>
      tpu.enqueue_indirect_dma source(%arg5 : memref<128xf32, #tpu.memory_space<vmem>>) target(%dma_start3A_69 : memref<10240xf32, #tpu.memory_space<vmem_shared>>) offsets(%dma_start3A_67 : memref<128xi32, #tpu.memory_space<vmem>>) semaphore(%arg8 : memref<!tpu.dma_semaphore, #tpu.memory_space<semaphore_mem>>) {add = true}
      %scan3A_70 = arith.constant 0 : i32
      scf.yield %scan3A_70 : i32
    }
    %scan3A_51 = arith.constant 80 : i32
    %scan3A_52 = arith.constant 0 : i32
    %scan3A_53 = arith.constant 0 : i32
    %scan3A_54 = arith.constant 80 : i32
    %scan3A_55 = arith.addi %scan3A_53, %scan3A_54 : i32
    %scan3A_56 = arith.constant 1 : i32
    %scan3A_57 = scf.for %scan3A_64 = %scan3A_53 to %scan3A_55 step %scan3A_56 iter_args(%scan3A_65 = %scan3A_52) -> (i32)  : i32 {
      %dma_wait3A = arith.constant 0 : i32
      %dma_wait3A_66 = arith.constant 0 : i32
      %dma_wait3A_67 = tpu.memref_slice %arg4[%dma_wait3A, %dma_wait3A_66] : memref<80x128xi32, #tpu.memory_space<vmem>> -> memref<1x128xi32, #tpu.memory_space<vmem>>
      %dma_wait3A_68 = tpu.memref_squeeze %dma_wait3A_67 : memref<1x128xi32, #tpu.memory_space<vmem>> -> memref<128xi32, #tpu.memory_space<vmem>>
      %dma_wait3A_69 = arith.constant 0 : i32
      %dma_wait3A_70 = tpu.memref_slice %arg7[%dma_wait3A_69] : memref<10240xf32, #tpu.memory_space<vmem_shared>> -> memref<10240xf32, #tpu.memory_space<vmem_shared>>
      tpu.wait_indirect_dma semaphore(%arg8 : memref<!tpu.dma_semaphore, #tpu.memory_space<semaphore_mem>>) src(%arg5 : memref<128xf32, #tpu.memory_space<vmem>>) dst(%dma_wait3A_70 : memref<10240xf32, #tpu.memory_space<vmem_shared>>)
      %scan3A_71 = arith.constant 0 : i32
      scf.yield %scan3A_71 : i32
    }
    %scan3A_58 = arith.constant 80 : i32
    %barrier3A_59 = arith.constant 0 : index
    tpu.barrier barrier_id(%barrier3A_59)
    %mul3A_60 = arith.constant 640 : i32
    %mul3A_61 = arith.muli %arg1, %mul3A_60 : i32
    %mul3A_62 = arith.constant 640 : i32
    %mul3A_63 = arith.muli %arg1, %mul3A_62 : i32
    "tpu.region"() ({
      %run_scoped3A_64 = tpu.sem_alloc : memref<!tpu.dma_semaphore, #tpu.memory_space<semaphore_mem>>
      %dma_start3A = tpu.memref_slice %arg3[%arg0, %mul3A_63] : memref<2x10240xf32, #tpu.memory_space<hbm>> -> memref<1x640xf32, #tpu.memory_space<hbm>>
      %dma_start3A_65 = tpu.memref_squeeze %dma_start3A : memref<1x640xf32, #tpu.memory_space<hbm>> -> memref<640xf32, #tpu.memory_space<hbm>>
      %dma_start3A_66 = tpu.memref_slice %arg7[%mul3A_61] : memref<10240xf32, #tpu.memory_space<vmem_shared>> -> memref<640xf32, #tpu.memory_space<vmem_shared>>
      tpu.enqueue_dma source(%dma_start3A_66 : memref<640xf32, #tpu.memory_space<vmem_shared>>) target(%dma_start3A_65 : memref<640xf32, #tpu.memory_space<hbm>>) target_semaphore(%run_scoped3A_64 : memref<!tpu.dma_semaphore, #tpu.memory_space<semaphore_mem>>)
      %dma_wait3A = tpu.memref_slice %arg3[%arg0, %mul3A_63] : memref<2x10240xf32, #tpu.memory_space<hbm>> -> memref<1x640xf32, #tpu.memory_space<hbm>>
      %dma_wait3A_67 = tpu.memref_squeeze %dma_wait3A : memref<1x640xf32, #tpu.memory_space<hbm>> -> memref<640xf32, #tpu.memory_space<hbm>>
      %dma_wait3A_68 = tpu.memref_slice %arg7[%mul3A_61] : memref<10240xf32, #tpu.memory_space<vmem_shared>> -> memref<640xf32, #tpu.memory_space<vmem_shared>>
      tpu.wait_dma2 semaphore(%run_scoped3A_64 : memref<!tpu.dma_semaphore, #tpu.memory_space<semaphore_mem>>) src(%dma_wait3A_68 : memref<640xf32, #tpu.memory_space<vmem_shared>>) dst(%dma_wait3A_67 : memref<640xf32, #tpu.memory_space<hbm>>)
      tpu.yield
    }) : () -> ()
    return
  }
}

#map = affine_map<(d0, d1) -> (0, 0)>
#map1 = affine_map<(d0, d1) -> (0, 0, 0)>
module attributes {stable_mosaic.version = 14 : i64} {
  func.func @_spmm_kernel(%arg0: i32, %arg1: i32, %arg2: memref<10000x128xf32, #tpu.memory_space<hbm>>, %arg3: memref<2x5120x64xi32, #tpu.memory_space<hbm>>, %arg4: memref<2x10240x128xf32, #tpu.memory_space<hbm>>, %arg5: memref<80x64xi32, #tpu.memory_space<vmem>>, %arg6: memref<80x64xi32, #tpu.memory_space<vmem>>, %arg7: memref<64x128xf32, #tpu.memory_space<vmem>>, %arg8: memref<64x128xf32, #tpu.memory_space<vmem>>, %arg9: memref<64x128xf32, #tpu.memory_space<vmem>>, %arg10: memref<10240x128xf32, #tpu.memory_space<vmem_shared>>, %arg11: memref<!tpu.dma_semaphore, #tpu.memory_space<semaphore_mem>>, %arg12: memref<!tpu.dma_semaphore, #tpu.memory_space<semaphore_mem>>, %arg13: memref<!tpu.dma_semaphore, #tpu.memory_space<semaphore_mem>>, %arg14: memref<!tpu.dma_semaphore, #tpu.memory_space<semaphore_mem>>, %arg15: memref<!tpu.dma_semaphore, #tpu.memory_space<semaphore_mem>>, %arg16: memref<!tpu.dma_semaphore, #tpu.memory_space<semaphore_mem>>) attributes {dimension_semantics = [#tpu.dimension_semantics<core_parallel>, #tpu.dimension_semantics<subcore_parallel>], iteration_bounds = array<i64: 2, 16>, scalar_prefetch = 0 : i64, scratch_operands = 12 : i64, tpu.core_type = #tpu.core_type<sc_vector_subcore>, window_params = [{transform_indices = #map}, {transform_indices = #map1}, {transform_indices = #map1}]} {
    %mul3A = arith.constant 16 : i32
    %mul3A_0 = arith.muli %arg0, %mul3A : i32
    %add3A = arith.addi %mul3A_0, %arg1 : i32
    %broadcast_in_dim3A = arith.constant 0.000000e+00 : f32
    %broadcast_in_dim3A_1 = vector.broadcast %broadcast_in_dim3A : f32 to vector<16xf32>
    %scan3A = arith.constant 0 : i32
    %scan3A_2 = arith.constant 0 : i32
    %scan3A_3 = arith.constant 512 : i32
    %scan3A_4 = arith.addi %scan3A_2, %scan3A_3 : i32
    %scan3A_5 = arith.constant 1 : i32
    %scan3A_6 = scf.for %scan3A_118 = %scan3A_2 to %scan3A_4 step %scan3A_5 iter_args(%scan3A_119 = %scan3A) -> (i32)  : i32 {
      %jit3A = arith.constant 8 : i32
      %div3A = arith.divsi %scan3A_118, %jit3A : i32
      %sign3A = arith.constant 0 : i32
      %sign3A_120 = arith.cmpi sgt, %scan3A_118, %sign3A : i32
      %sign3A_121 = arith.extui %sign3A_120 : i1 to i32
      %sign3A_122 = arith.constant 0 : i32
      %sign3A_123 = arith.cmpi slt, %scan3A_118, %sign3A_122 : i32
      %sign3A_124 = arith.extui %sign3A_123 : i1 to i32
      %sign3A_125 = arith.subi %sign3A_121, %sign3A_124 : i32
      %sign3A_126 = arith.constant 0 : i32
      %sign3A_127 = arith.cmpi sgt, %jit3A, %sign3A_126 : i32
      %sign3A_128 = arith.extui %sign3A_127 : i1 to i32
      %sign3A_129 = arith.constant 0 : i32
      %sign3A_130 = arith.cmpi slt, %jit3A, %sign3A_129 : i32
      %sign3A_131 = arith.extui %sign3A_130 : i1 to i32
      %sign3A_132 = arith.subi %sign3A_128, %sign3A_131 : i32
      %ne3A = arith.cmpi ne, %sign3A_125, %sign3A_132 : i32
      %rem3A = arith.remsi %scan3A_118, %jit3A : i32
      %ne3A_133 = arith.constant 0 : i32
      %ne3A_134 = arith.cmpi ne, %rem3A, %ne3A_133 : i32
      %and3A = arith.andi %ne3A, %ne3A_134 : i1
      %sub3A = arith.constant 1 : i32
      %sub3A_135 = arith.subi %div3A, %sub3A : i32
      %select_n3A = arith.select %and3A, %sub3A_135, %div3A : i32
      %jit3A_136 = arith.constant 8 : i32
      %eq3A = arith.constant 0 : i32
      %eq3A_137 = arith.cmpi eq, %jit3A_136, %eq3A : i32
      %jit3A_138 = arith.constant 1 : i32
      %select_n3A_139 = arith.select %eq3A_137, %jit3A_138, %jit3A_136 : i32
      %rem3A_140 = arith.remsi %scan3A_118, %select_n3A_139 : i32
      %ne3A_141 = arith.constant 0 : i32
      %ne3A_142 = arith.cmpi ne, %rem3A_140, %ne3A_141 : i32
      %lt3A = arith.constant 0 : i32
      %lt3A_143 = arith.cmpi slt, %rem3A_140, %lt3A : i32
      %lt3A_144 = arith.constant 0 : i32
      %lt3A_145 = arith.cmpi slt, %select_n3A_139, %lt3A_144 : i32
      %ne3A_146 = arith.xori %lt3A_143, %lt3A_145 : i1
      %and3A_147 = arith.andi %ne3A_146, %ne3A_142 : i1
      %add3A_148 = arith.addi %rem3A_140, %select_n3A_139 : i32
      %select_n3A_149 = arith.select %and3A_147, %add3A_148, %rem3A_140 : i32
      %mul3A_150 = arith.constant 16 : i32
      %mul3A_151 = arith.muli %mul3A_150, %select_n3A_149 : i32
      %swap3A = arith.index_cast %select_n3A : i32 to index
      %swap3A_152 = arith.index_cast %mul3A_151 : i32 to index
      %swap3A_153 = tpu.vector_load %arg7[%swap3A, %swap3A_152] {strides = array<i32>} : memref<64x128xf32, #tpu.memory_space<vmem>>, vector<1x16xf32>,
      %swap3A_154 = vector.shape_cast %swap3A_153 : vector<1x16xf32> to vector<16xf32>
      %swap3A_155 = vector.shape_cast %broadcast_in_dim3A_1 : vector<16xf32> to vector<1x16xf32>
      tpu.vector_store %arg7[%swap3A, %swap3A_152], %swap3A_155 {strides = array<i32>} : memref<64x128xf32, #tpu.memory_space<vmem>>, vector<1x16xf32>,
      %scan3A_156 = arith.constant 0 : i32
      scf.yield %scan3A_156 : i32
    }
    %scan3A_7 = arith.constant 512 : i32
    %mul3A_8 = arith.constant 640 : i32
    %mul3A_9 = arith.muli %arg1, %mul3A_8 : i32
    %add3A_10 = arith.constant 0 : i32
    %add3A_11 = arith.addi %mul3A_9, %add3A_10 : i32
    "tpu.region"() ({
      %run_scoped3A_118 = tpu.sem_alloc : memref<!tpu.dma_semaphore, #tpu.memory_space<semaphore_mem>>
      %dma_start3A_119 = arith.constant 0 : i32
      %dma_start3A_120 = tpu.memref_slice %arg10[%add3A_11, %dma_start3A_119] : memref<10240x128xf32, #tpu.memory_space<vmem_shared>> -> memref<64x128xf32, #tpu.memory_space<vmem_shared>>
      %dma_start3A_121 = arith.constant 0 : i32
      %dma_start3A_122 = tpu.memref_slice %arg10[%add3A_11, %dma_start3A_121] : memref<10240x128xf32, #tpu.memory_space<vmem_shared>> -> memref<64x128xf32, #tpu.memory_space<vmem_shared>>
      tpu.enqueue_dma source(%arg7 : memref<64x128xf32, #tpu.memory_space<vmem>>) target(%dma_start3A_122 : memref<64x128xf32, #tpu.memory_space<vmem_shared>>) target_semaphore(%run_scoped3A_118 : memref<!tpu.dma_semaphore, #tpu.memory_space<semaphore_mem>>)
      %dma_wait3A_123 = arith.constant 0 : i32
      %dma_wait3A_124 = tpu.memref_slice %arg10[%add3A_11, %dma_wait3A_123] : memref<10240x128xf32, #tpu.memory_space<vmem_shared>> -> memref<64x128xf32, #tpu.memory_space<vmem_shared>>
      %dma_wait3A_125 = arith.constant 0 : i32
      %dma_wait3A_126 = tpu.memref_slice %arg10[%add3A_11, %dma_wait3A_125] : memref<10240x128xf32, #tpu.memory_space<vmem_shared>> -> memref<64x128xf32, #tpu.memory_space<vmem_shared>>
      tpu.wait_dma2 semaphore(%run_scoped3A_118 : memref<!tpu.dma_semaphore, #tpu.memory_space<semaphore_mem>>) src(%arg7 : memref<64x128xf32, #tpu.memory_space<vmem>>) dst(%dma_wait3A_126 : memref<64x128xf32, #tpu.memory_space<vmem_shared>>)
      tpu.yield
    }) : () -> ()
    %mul3A_12 = arith.constant 640 : i32
    %mul3A_13 = arith.muli %arg1, %mul3A_12 : i32
    %add3A_14 = arith.constant 64 : i32
    %add3A_15 = arith.addi %mul3A_13, %add3A_14 : i32
    "tpu.region"() ({
      %run_scoped3A_118 = tpu.sem_alloc : memref<!tpu.dma_semaphore, #tpu.memory_space<semaphore_mem>>
      %dma_start3A_119 = arith.constant 0 : i32
      %dma_start3A_120 = tpu.memref_slice %arg10[%add3A_15, %dma_start3A_119] : memref<10240x128xf32, #tpu.memory_space<vmem_shared>> -> memref<64x128xf32, #tpu.memory_space<vmem_shared>>
      %dma_start3A_121 = arith.constant 0 : i32
      %dma_start3A_122 = tpu.memref_slice %arg10[%add3A_15, %dma_start3A_121] : memref<10240x128xf32, #tpu.memory_space<vmem_shared>> -> memref<64x128xf32, #tpu.memory_space<vmem_shared>>
      tpu.enqueue_dma source(%arg7 : memref<64x128xf32, #tpu.memory_space<vmem>>) target(%dma_start3A_122 : memref<64x128xf32, #tpu.memory_space<vmem_shared>>) target_semaphore(%run_scoped3A_118 : memref<!tpu.dma_semaphore, #tpu.memory_space<semaphore_mem>>)
      %dma_wait3A_123 = arith.constant 0 : i32
      %dma_wait3A_124 = tpu.memref_slice %arg10[%add3A_15, %dma_wait3A_123] : memref<10240x128xf32, #tpu.memory_space<vmem_shared>> -> memref<64x128xf32, #tpu.memory_space<vmem_shared>>
      %dma_wait3A_125 = arith.constant 0 : i32
      %dma_wait3A_126 = tpu.memref_slice %arg10[%add3A_15, %dma_wait3A_125] : memref<10240x128xf32, #tpu.memory_space<vmem_shared>> -> memref<64x128xf32, #tpu.memory_space<vmem_shared>>
      tpu.wait_dma2 semaphore(%run_scoped3A_118 : memref<!tpu.dma_semaphore, #tpu.memory_space<semaphore_mem>>) src(%arg7 : memref<64x128xf32, #tpu.memory_space<vmem>>) dst(%dma_wait3A_126 : memref<64x128xf32, #tpu.memory_space<vmem_shared>>)
      tpu.yield
    }) : () -> ()
    %mul3A_16 = arith.constant 640 : i32
    %mul3A_17 = arith.muli %arg1, %mul3A_16 : i32
    %add3A_18 = arith.constant 128 : i32
    %add3A_19 = arith.addi %mul3A_17, %add3A_18 : i32
    "tpu.region"() ({
      %run_scoped3A_118 = tpu.sem_alloc : memref<!tpu.dma_semaphore, #tpu.memory_space<semaphore_mem>>
      %dma_start3A_119 = arith.constant 0 : i32
      %dma_start3A_120 = tpu.memref_slice %arg10[%add3A_19, %dma_start3A_119] : memref<10240x128xf32, #tpu.memory_space<vmem_shared>> -> memref<64x128xf32, #tpu.memory_space<vmem_shared>>
      %dma_start3A_121 = arith.constant 0 : i32
      %dma_start3A_122 = tpu.memref_slice %arg10[%add3A_19, %dma_start3A_121] : memref<10240x128xf32, #tpu.memory_space<vmem_shared>> -> memref<64x128xf32, #tpu.memory_space<vmem_shared>>
      tpu.enqueue_dma source(%arg7 : memref<64x128xf32, #tpu.memory_space<vmem>>) target(%dma_start3A_122 : memref<64x128xf32, #tpu.memory_space<vmem_shared>>) target_semaphore(%run_scoped3A_118 : memref<!tpu.dma_semaphore, #tpu.memory_space<semaphore_mem>>)
      %dma_wait3A_123 = arith.constant 0 : i32
      %dma_wait3A_124 = tpu.memref_slice %arg10[%add3A_19, %dma_wait3A_123] : memref<10240x128xf32, #tpu.memory_space<vmem_shared>> -> memref<64x128xf32, #tpu.memory_space<vmem_shared>>
      %dma_wait3A_125 = arith.constant 0 : i32
      %dma_wait3A_126 = tpu.memref_slice %arg10[%add3A_19, %dma_wait3A_125] : memref<10240x128xf32, #tpu.memory_space<vmem_shared>> -> memref<64x128xf32, #tpu.memory_space<vmem_shared>>
      tpu.wait_dma2 semaphore(%run_scoped3A_118 : memref<!tpu.dma_semaphore, #tpu.memory_space<semaphore_mem>>) src(%arg7 : memref<64x128xf32, #tpu.memory_space<vmem>>) dst(%dma_wait3A_126 : memref<64x128xf32, #tpu.memory_space<vmem_shared>>)
      tpu.yield
    }) : () -> ()
    %mul3A_20 = arith.constant 640 : i32
    %mul3A_21 = arith.muli %arg1, %mul3A_20 : i32
    %add3A_22 = arith.constant 192 : i32
    %add3A_23 = arith.addi %mul3A_21, %add3A_22 : i32
    "tpu.region"() ({
      %run_scoped3A_118 = tpu.sem_alloc : memref<!tpu.dma_semaphore, #tpu.memory_space<semaphore_mem>>
      %dma_start3A_119 = arith.constant 0 : i32
      %dma_start3A_120 = tpu.memref_slice %arg10[%add3A_23, %dma_start3A_119] : memref<10240x128xf32, #tpu.memory_space<vmem_shared>> -> memref<64x128xf32, #tpu.memory_space<vmem_shared>>
      %dma_start3A_121 = arith.constant 0 : i32
      %dma_start3A_122 = tpu.memref_slice %arg10[%add3A_23, %dma_start3A_121] : memref<10240x128xf32, #tpu.memory_space<vmem_shared>> -> memref<64x128xf32, #tpu.memory_space<vmem_shared>>
      tpu.enqueue_dma source(%arg7 : memref<64x128xf32, #tpu.memory_space<vmem>>) target(%dma_start3A_122 : memref<64x128xf32, #tpu.memory_space<vmem_shared>>) target_semaphore(%run_scoped3A_118 : memref<!tpu.dma_semaphore, #tpu.memory_space<semaphore_mem>>)
      %dma_wait3A_123 = arith.constant 0 : i32
      %dma_wait3A_124 = tpu.memref_slice %arg10[%add3A_23, %dma_wait3A_123] : memref<10240x128xf32, #tpu.memory_space<vmem_shared>> -> memref<64x128xf32, #tpu.memory_space<vmem_shared>>
      %dma_wait3A_125 = arith.constant 0 : i32
      %dma_wait3A_126 = tpu.memref_slice %arg10[%add3A_23, %dma_wait3A_125] : memref<10240x128xf32, #tpu.memory_space<vmem_shared>> -> memref<64x128xf32, #tpu.memory_space<vmem_shared>>
      tpu.wait_dma2 semaphore(%run_scoped3A_118 : memref<!tpu.dma_semaphore, #tpu.memory_space<semaphore_mem>>) src(%arg7 : memref<64x128xf32, #tpu.memory_space<vmem>>) dst(%dma_wait3A_126 : memref<64x128xf32, #tpu.memory_space<vmem_shared>>)
      tpu.yield
    }) : () -> ()
    %mul3A_24 = arith.constant 640 : i32
    %mul3A_25 = arith.muli %arg1, %mul3A_24 : i32
    %add3A_26 = arith.constant 256 : i32
    %add3A_27 = arith.addi %mul3A_25, %add3A_26 : i32
    "tpu.region"() ({
      %run_scoped3A_118 = tpu.sem_alloc : memref<!tpu.dma_semaphore, #tpu.memory_space<semaphore_mem>>
      %dma_start3A_119 = arith.constant 0 : i32
      %dma_start3A_120 = tpu.memref_slice %arg10[%add3A_27, %dma_start3A_119] : memref<10240x128xf32, #tpu.memory_space<vmem_shared>> -> memref<64x128xf32, #tpu.memory_space<vmem_shared>>
      %dma_start3A_121 = arith.constant 0 : i32
      %dma_start3A_122 = tpu.memref_slice %arg10[%add3A_27, %dma_start3A_121] : memref<10240x128xf32, #tpu.memory_space<vmem_shared>> -> memref<64x128xf32, #tpu.memory_space<vmem_shared>>
      tpu.enqueue_dma source(%arg7 : memref<64x128xf32, #tpu.memory_space<vmem>>) target(%dma_start3A_122 : memref<64x128xf32, #tpu.memory_space<vmem_shared>>) target_semaphore(%run_scoped3A_118 : memref<!tpu.dma_semaphore, #tpu.memory_space<semaphore_mem>>)
      %dma_wait3A_123 = arith.constant 0 : i32
      %dma_wait3A_124 = tpu.memref_slice %arg10[%add3A_27, %dma_wait3A_123] : memref<10240x128xf32, #tpu.memory_space<vmem_shared>> -> memref<64x128xf32, #tpu.memory_space<vmem_shared>>
      %dma_wait3A_125 = arith.constant 0 : i32
      %dma_wait3A_126 = tpu.memref_slice %arg10[%add3A_27, %dma_wait3A_125] : memref<10240x128xf32, #tpu.memory_space<vmem_shared>> -> memref<64x128xf32, #tpu.memory_space<vmem_shared>>
      tpu.wait_dma2 semaphore(%run_scoped3A_118 : memref<!tpu.dma_semaphore, #tpu.memory_space<semaphore_mem>>) src(%arg7 : memref<64x128xf32, #tpu.memory_space<vmem>>) dst(%dma_wait3A_126 : memref<64x128xf32, #tpu.memory_space<vmem_shared>>)
      tpu.yield
    }) : () -> ()
    %mul3A_28 = arith.constant 640 : i32
    %mul3A_29 = arith.muli %arg1, %mul3A_28 : i32
    %add3A_30 = arith.constant 320 : i32
    %add3A_31 = arith.addi %mul3A_29, %add3A_30 : i32
    "tpu.region"() ({
      %run_scoped3A_118 = tpu.sem_alloc : memref<!tpu.dma_semaphore, #tpu.memory_space<semaphore_mem>>
      %dma_start3A_119 = arith.constant 0 : i32
      %dma_start3A_120 = tpu.memref_slice %arg10[%add3A_31, %dma_start3A_119] : memref<10240x128xf32, #tpu.memory_space<vmem_shared>> -> memref<64x128xf32, #tpu.memory_space<vmem_shared>>
      %dma_start3A_121 = arith.constant 0 : i32
      %dma_start3A_122 = tpu.memref_slice %arg10[%add3A_31, %dma_start3A_121] : memref<10240x128xf32, #tpu.memory_space<vmem_shared>> -> memref<64x128xf32, #tpu.memory_space<vmem_shared>>
      tpu.enqueue_dma source(%arg7 : memref<64x128xf32, #tpu.memory_space<vmem>>) target(%dma_start3A_122 : memref<64x128xf32, #tpu.memory_space<vmem_shared>>) target_semaphore(%run_scoped3A_118 : memref<!tpu.dma_semaphore, #tpu.memory_space<semaphore_mem>>)
      %dma_wait3A_123 = arith.constant 0 : i32
      %dma_wait3A_124 = tpu.memref_slice %arg10[%add3A_31, %dma_wait3A_123] : memref<10240x128xf32, #tpu.memory_space<vmem_shared>> -> memref<64x128xf32, #tpu.memory_space<vmem_shared>>
      %dma_wait3A_125 = arith.constant 0 : i32
      %dma_wait3A_126 = tpu.memref_slice %arg10[%add3A_31, %dma_wait3A_125] : memref<10240x128xf32, #tpu.memory_space<vmem_shared>> -> memref<64x128xf32, #tpu.memory_space<vmem_shared>>
      tpu.wait_dma2 semaphore(%run_scoped3A_118 : memref<!tpu.dma_semaphore, #tpu.memory_space<semaphore_mem>>) src(%arg7 : memref<64x128xf32, #tpu.memory_space<vmem>>) dst(%dma_wait3A_126 : memref<64x128xf32, #tpu.memory_space<vmem_shared>>)
      tpu.yield
    }) : () -> ()
    %mul3A_32 = arith.constant 640 : i32
    %mul3A_33 = arith.muli %arg1, %mul3A_32 : i32
    %add3A_34 = arith.constant 384 : i32
    %add3A_35 = arith.addi %mul3A_33, %add3A_34 : i32
    "tpu.region"() ({
      %run_scoped3A_118 = tpu.sem_alloc : memref<!tpu.dma_semaphore, #tpu.memory_space<semaphore_mem>>
      %dma_start3A_119 = arith.constant 0 : i32
      %dma_start3A_120 = tpu.memref_slice %arg10[%add3A_35, %dma_start3A_119] : memref<10240x128xf32, #tpu.memory_space<vmem_shared>> -> memref<64x128xf32, #tpu.memory_space<vmem_shared>>
      %dma_start3A_121 = arith.constant 0 : i32
      %dma_start3A_122 = tpu.memref_slice %arg10[%add3A_35, %dma_start3A_121] : memref<10240x128xf32, #tpu.memory_space<vmem_shared>> -> memref<64x128xf32, #tpu.memory_space<vmem_shared>>
      tpu.enqueue_dma source(%arg7 : memref<64x128xf32, #tpu.memory_space<vmem>>) target(%dma_start3A_122 : memref<64x128xf32, #tpu.memory_space<vmem_shared>>) target_semaphore(%run_scoped3A_118 : memref<!tpu.dma_semaphore, #tpu.memory_space<semaphore_mem>>)
      %dma_wait3A_123 = arith.constant 0 : i32
      %dma_wait3A_124 = tpu.memref_slice %arg10[%add3A_35, %dma_wait3A_123] : memref<10240x128xf32, #tpu.memory_space<vmem_shared>> -> memref<64x128xf32, #tpu.memory_space<vmem_shared>>
      %dma_wait3A_125 = arith.constant 0 : i32
      %dma_wait3A_126 = tpu.memref_slice %arg10[%add3A_35, %dma_wait3A_125] : memref<10240x128xf32, #tpu.memory_space<vmem_shared>> -> memref<64x128xf32, #tpu.memory_space<vmem_shared>>
      tpu.wait_dma2 semaphore(%run_scoped3A_118 : memref<!tpu.dma_semaphore, #tpu.memory_space<semaphore_mem>>) src(%arg7 : memref<64x128xf32, #tpu.memory_space<vmem>>) dst(%dma_wait3A_126 : memref<64x128xf32, #tpu.memory_space<vmem_shared>>)
      tpu.yield
    }) : () -> ()
    %mul3A_36 = arith.constant 640 : i32
    %mul3A_37 = arith.muli %arg1, %mul3A_36 : i32
    %add3A_38 = arith.constant 448 : i32
    %add3A_39 = arith.addi %mul3A_37, %add3A_38 : i32
    "tpu.region"() ({
      %run_scoped3A_118 = tpu.sem_alloc : memref<!tpu.dma_semaphore, #tpu.memory_space<semaphore_mem>>
      %dma_start3A_119 = arith.constant 0 : i32
      %dma_start3A_120 = tpu.memref_slice %arg10[%add3A_39, %dma_start3A_119] : memref<10240x128xf32, #tpu.memory_space<vmem_shared>> -> memref<64x128xf32, #tpu.memory_space<vmem_shared>>
      %dma_start3A_121 = arith.constant 0 : i32
      %dma_start3A_122 = tpu.memref_slice %arg10[%add3A_39, %dma_start3A_121] : memref<10240x128xf32, #tpu.memory_space<vmem_shared>> -> memref<64x128xf32, #tpu.memory_space<vmem_shared>>
      tpu.enqueue_dma source(%arg7 : memref<64x128xf32, #tpu.memory_space<vmem>>) target(%dma_start3A_122 : memref<64x128xf32, #tpu.memory_space<vmem_shared>>) target_semaphore(%run_scoped3A_118 : memref<!tpu.dma_semaphore, #tpu.memory_space<semaphore_mem>>)
      %dma_wait3A_123 = arith.constant 0 : i32
      %dma_wait3A_124 = tpu.memref_slice %arg10[%add3A_39, %dma_wait3A_123] : memref<10240x128xf32, #tpu.memory_space<vmem_shared>> -> memref<64x128xf32, #tpu.memory_space<vmem_shared>>
      %dma_wait3A_125 = arith.constant 0 : i32
      %dma_wait3A_126 = tpu.memref_slice %arg10[%add3A_39, %dma_wait3A_125] : memref<10240x128xf32, #tpu.memory_space<vmem_shared>> -> memref<64x128xf32, #tpu.memory_space<vmem_shared>>
      tpu.wait_dma2 semaphore(%run_scoped3A_118 : memref<!tpu.dma_semaphore, #tpu.memory_space<semaphore_mem>>) src(%arg7 : memref<64x128xf32, #tpu.memory_space<vmem>>) dst(%dma_wait3A_126 : memref<64x128xf32, #tpu.memory_space<vmem_shared>>)
      tpu.yield
    }) : () -> ()
    %mul3A_40 = arith.constant 640 : i32
    %mul3A_41 = arith.muli %arg1, %mul3A_40 : i32
    %add3A_42 = arith.constant 512 : i32
    %add3A_43 = arith.addi %mul3A_41, %add3A_42 : i32
    "tpu.region"() ({
      %run_scoped3A_118 = tpu.sem_alloc : memref<!tpu.dma_semaphore, #tpu.memory_space<semaphore_mem>>
      %dma_start3A_119 = arith.constant 0 : i32
      %dma_start3A_120 = tpu.memref_slice %arg10[%add3A_43, %dma_start3A_119] : memref<10240x128xf32, #tpu.memory_space<vmem_shared>> -> memref<64x128xf32, #tpu.memory_space<vmem_shared>>
      %dma_start3A_121 = arith.constant 0 : i32
      %dma_start3A_122 = tpu.memref_slice %arg10[%add3A_43, %dma_start3A_121] : memref<10240x128xf32, #tpu.memory_space<vmem_shared>> -> memref<64x128xf32, #tpu.memory_space<vmem_shared>>
      tpu.enqueue_dma source(%arg7 : memref<64x128xf32, #tpu.memory_space<vmem>>) target(%dma_start3A_122 : memref<64x128xf32, #tpu.memory_space<vmem_shared>>) target_semaphore(%run_scoped3A_118 : memref<!tpu.dma_semaphore, #tpu.memory_space<semaphore_mem>>)
      %dma_wait3A_123 = arith.constant 0 : i32
      %dma_wait3A_124 = tpu.memref_slice %arg10[%add3A_43, %dma_wait3A_123] : memref<10240x128xf32, #tpu.memory_space<vmem_shared>> -> memref<64x128xf32, #tpu.memory_space<vmem_shared>>
      %dma_wait3A_125 = arith.constant 0 : i32
      %dma_wait3A_126 = tpu.memref_slice %arg10[%add3A_43, %dma_wait3A_125] : memref<10240x128xf32, #tpu.memory_space<vmem_shared>> -> memref<64x128xf32, #tpu.memory_space<vmem_shared>>
      tpu.wait_dma2 semaphore(%run_scoped3A_118 : memref<!tpu.dma_semaphore, #tpu.memory_space<semaphore_mem>>) src(%arg7 : memref<64x128xf32, #tpu.memory_space<vmem>>) dst(%dma_wait3A_126 : memref<64x128xf32, #tpu.memory_space<vmem_shared>>)
      tpu.yield
    }) : () -> ()
    %mul3A_44 = arith.constant 640 : i32
    %mul3A_45 = arith.muli %arg1, %mul3A_44 : i32
    %add3A_46 = arith.constant 576 : i32
    %add3A_47 = arith.addi %mul3A_45, %add3A_46 : i32
    "tpu.region"() ({
      %run_scoped3A_118 = tpu.sem_alloc : memref<!tpu.dma_semaphore, #tpu.memory_space<semaphore_mem>>
      %dma_start3A_119 = arith.constant 0 : i32
      %dma_start3A_120 = tpu.memref_slice %arg10[%add3A_47, %dma_start3A_119] : memref<10240x128xf32, #tpu.memory_space<vmem_shared>> -> memref<64x128xf32, #tpu.memory_space<vmem_shared>>
      %dma_start3A_121 = arith.constant 0 : i32
      %dma_start3A_122 = tpu.memref_slice %arg10[%add3A_47, %dma_start3A_121] : memref<10240x128xf32, #tpu.memory_space<vmem_shared>> -> memref<64x128xf32, #tpu.memory_space<vmem_shared>>
      tpu.enqueue_dma source(%arg7 : memref<64x128xf32, #tpu.memory_space<vmem>>) target(%dma_start3A_122 : memref<64x128xf32, #tpu.memory_space<vmem_shared>>) target_semaphore(%run_scoped3A_118 : memref<!tpu.dma_semaphore, #tpu.memory_space<semaphore_mem>>)
      %dma_wait3A_123 = arith.constant 0 : i32
      %dma_wait3A_124 = tpu.memref_slice %arg10[%add3A_47, %dma_wait3A_123] : memref<10240x128xf32, #tpu.memory_space<vmem_shared>> -> memref<64x128xf32, #tpu.memory_space<vmem_shared>>
      %dma_wait3A_125 = arith.constant 0 : i32
      %dma_wait3A_126 = tpu.memref_slice %arg10[%add3A_47, %dma_wait3A_125] : memref<10240x128xf32, #tpu.memory_space<vmem_shared>> -> memref<64x128xf32, #tpu.memory_space<vmem_shared>>
      tpu.wait_dma2 semaphore(%run_scoped3A_118 : memref<!tpu.dma_semaphore, #tpu.memory_space<semaphore_mem>>) src(%arg7 : memref<64x128xf32, #tpu.memory_space<vmem>>) dst(%dma_wait3A_126 : memref<64x128xf32, #tpu.memory_space<vmem_shared>>)
      tpu.yield
    }) : () -> ()
    %barrier3A = arith.constant 0 : index
    tpu.barrier barrier_id(%barrier3A)
    %mul3A_48 = arith.constant 160 : i32
    %mul3A_49 = arith.muli %add3A, %mul3A_48 : i32
    %add3A_50 = arith.constant 0 : i32
    %add3A_51 = arith.addi %mul3A_49, %add3A_50 : i32
    %run_scoped3A = arith.constant 1 : i32
    "tpu.region"() ({
      %run_scoped3A_118 = tpu.sem_alloc : memref<!tpu.dma_semaphore, #tpu.memory_space<semaphore_mem>>
      %dma_start3A_119 = arith.constant 0 : i32
      %dma_start3A_120 = tpu.memref_slice %arg3[%run_scoped3A, %add3A_51, %dma_start3A_119] : memref<2x5120x64xi32, #tpu.memory_space<hbm>> -> memref<1x80x64xi32, #tpu.memory_space<hbm>>
      %dma_start3A_121 = tpu.memref_squeeze %dma_start3A_120 : memref<1x80x64xi32, #tpu.memory_space<hbm>> -> memref<80x64xi32, #tpu.memory_space<hbm>>
      %dma_start3A_122 = arith.constant 0 : i32
      %dma_start3A_123 = tpu.memref_slice %arg3[%run_scoped3A, %add3A_51, %dma_start3A_122] : memref<2x5120x64xi32, #tpu.memory_space<hbm>> -> memref<1x80x64xi32, #tpu.memory_space<hbm>>
      %dma_start3A_124 = tpu.memref_squeeze %dma_start3A_123 : memref<1x80x64xi32, #tpu.memory_space<hbm>> -> memref<80x64xi32, #tpu.memory_space<hbm>>
      tpu.enqueue_dma source(%dma_start3A_124 : memref<80x64xi32, #tpu.memory_space<hbm>>) target(%arg5 : memref<80x64xi32, #tpu.memory_space<vmem>>) target_semaphore(%run_scoped3A_118 : memref<!tpu.dma_semaphore, #tpu.memory_space<semaphore_mem>>)
      %dma_wait3A_125 = arith.constant 0 : i32
      %dma_wait3A_126 = tpu.memref_slice %arg3[%run_scoped3A, %add3A_51, %dma_wait3A_125] : memref<2x5120x64xi32, #tpu.memory_space<hbm>> -> memref<1x80x64xi32, #tpu.memory_space<hbm>>
      %dma_wait3A_127 = tpu.memref_squeeze %dma_wait3A_126 : memref<1x80x64xi32, #tpu.memory_space<hbm>> -> memref<80x64xi32, #tpu.memory_space<hbm>>
      %dma_wait3A_128 = arith.constant 0 : i32
      %dma_wait3A_129 = tpu.memref_slice %arg3[%run_scoped3A, %add3A_51, %dma_wait3A_128] : memref<2x5120x64xi32, #tpu.memory_space<hbm>> -> memref<1x80x64xi32, #tpu.memory_space<hbm>>
      %dma_wait3A_130 = tpu.memref_squeeze %dma_wait3A_129 : memref<1x80x64xi32, #tpu.memory_space<hbm>> -> memref<80x64xi32, #tpu.memory_space<hbm>>
      tpu.wait_dma2 semaphore(%run_scoped3A_118 : memref<!tpu.dma_semaphore, #tpu.memory_space<semaphore_mem>>) src(%dma_wait3A_130 : memref<80x64xi32, #tpu.memory_space<hbm>>) dst(%arg5 : memref<80x64xi32, #tpu.memory_space<vmem>>)
      tpu.yield
    }) : () -> ()
    %run_scoped3A_52 = arith.constant 0 : i32
    "tpu.region"() ({
      %run_scoped3A_118 = tpu.sem_alloc : memref<!tpu.dma_semaphore, #tpu.memory_space<semaphore_mem>>
      %dma_start3A_119 = arith.constant 0 : i32
      %dma_start3A_120 = tpu.memref_slice %arg3[%run_scoped3A_52, %add3A_51, %dma_start3A_119] : memref<2x5120x64xi32, #tpu.memory_space<hbm>> -> memref<1x80x64xi32, #tpu.memory_space<hbm>>
      %dma_start3A_121 = tpu.memref_squeeze %dma_start3A_120 : memref<1x80x64xi32, #tpu.memory_space<hbm>> -> memref<80x64xi32, #tpu.memory_space<hbm>>
      %dma_start3A_122 = arith.constant 0 : i32
      %dma_start3A_123 = tpu.memref_slice %arg3[%run_scoped3A_52, %add3A_51, %dma_start3A_122] : memref<2x5120x64xi32, #tpu.memory_space<hbm>> -> memref<1x80x64xi32, #tpu.memory_space<hbm>>
      %dma_start3A_124 = tpu.memref_squeeze %dma_start3A_123 : memref<1x80x64xi32, #tpu.memory_space<hbm>> -> memref<80x64xi32, #tpu.memory_space<hbm>>
      tpu.enqueue_dma source(%dma_start3A_124 : memref<80x64xi32, #tpu.memory_space<hbm>>) target(%arg6 : memref<80x64xi32, #tpu.memory_space<vmem>>) target_semaphore(%run_scoped3A_118 : memref<!tpu.dma_semaphore, #tpu.memory_space<semaphore_mem>>)
      %dma_wait3A_125 = arith.constant 0 : i32
      %dma_wait3A_126 = tpu.memref_slice %arg3[%run_scoped3A_52, %add3A_51, %dma_wait3A_125] : memref<2x5120x64xi32, #tpu.memory_space<hbm>> -> memref<1x80x64xi32, #tpu.memory_space<hbm>>
      %dma_wait3A_127 = tpu.memref_squeeze %dma_wait3A_126 : memref<1x80x64xi32, #tpu.memory_space<hbm>> -> memref<80x64xi32, #tpu.memory_space<hbm>>
      %dma_wait3A_128 = arith.constant 0 : i32
      %dma_wait3A_129 = tpu.memref_slice %arg3[%run_scoped3A_52, %add3A_51, %dma_wait3A_128] : memref<2x5120x64xi32, #tpu.memory_space<hbm>> -> memref<1x80x64xi32, #tpu.memory_space<hbm>>
      %dma_wait3A_130 = tpu.memref_squeeze %dma_wait3A_129 : memref<1x80x64xi32, #tpu.memory_space<hbm>> -> memref<80x64xi32, #tpu.memory_space<hbm>>
      tpu.wait_dma2 semaphore(%run_scoped3A_118 : memref<!tpu.dma_semaphore, #tpu.memory_space<semaphore_mem>>) src(%dma_wait3A_130 : memref<80x64xi32, #tpu.memory_space<hbm>>) dst(%arg6 : memref<80x64xi32, #tpu.memory_space<vmem>>)
      tpu.yield
    }) : () -> ()
    %dma_start3A = arith.constant 0 : i32
    %dma_start3A_53 = arith.constant 0 : i32
    %dma_start3A_54 = tpu.memref_slice %arg5[%dma_start3A, %dma_start3A_53] : memref<80x64xi32, #tpu.memory_space<vmem>> -> memref<1x64xi32, #tpu.memory_space<vmem>>
    %dma_start3A_55 = tpu.memref_squeeze %dma_start3A_54 : memref<1x64xi32, #tpu.memory_space<vmem>> -> memref<64xi32, #tpu.memory_space<vmem>>
    %dma_start3A_56 = arith.constant 0 : i32
    %dma_start3A_57 = arith.constant 0 : i32
    %dma_start3A_58 = tpu.memref_slice %arg2[%dma_start3A_56, %dma_start3A_57] : memref<10000x128xf32, #tpu.memory_space<hbm>> -> memref<10000x128xf32, #tpu.memory_space<hbm>>
    tpu.enqueue_indirect_dma source(%dma_start3A_58 : memref<10000x128xf32, #tpu.memory_space<hbm>>) target(%arg7 : memref<64x128xf32, #tpu.memory_space<vmem>>) offsets(%dma_start3A_55 : memref<64xi32, #tpu.memory_space<vmem>>) semaphore(%arg11 : memref<!tpu.dma_semaphore, #tpu.memory_space<semaphore_mem>>)
    %dma_start3A_59 = arith.constant 1 : i32
    %dma_start3A_60 = arith.constant 0 : i32
    %dma_start3A_61 = tpu.memref_slice %arg5[%dma_start3A_59, %dma_start3A_60] : memref<80x64xi32, #tpu.memory_space<vmem>> -> memref<1x64xi32, #tpu.memory_space<vmem>>
    %dma_start3A_62 = tpu.memref_squeeze %dma_start3A_61 : memref<1x64xi32, #tpu.memory_space<vmem>> -> memref<64xi32, #tpu.memory_space<vmem>>
    %dma_start3A_63 = arith.constant 0 : i32
    %dma_start3A_64 = arith.constant 0 : i32
    %dma_start3A_65 = tpu.memref_slice %arg2[%dma_start3A_63, %dma_start3A_64] : memref<10000x128xf32, #tpu.memory_space<hbm>> -> memref<10000x128xf32, #tpu.memory_space<hbm>>
    tpu.enqueue_indirect_dma source(%dma_start3A_65 : memref<10000x128xf32, #tpu.memory_space<hbm>>) target(%arg8 : memref<64x128xf32, #tpu.memory_space<vmem>>) offsets(%dma_start3A_62 : memref<64xi32, #tpu.memory_space<vmem>>) semaphore(%arg12 : memref<!tpu.dma_semaphore, #tpu.memory_space<semaphore_mem>>)
    %scan3A_66 = arith.constant 0 : i32
    %scan3A_67 = arith.constant 0 : i32
    %scan3A_68 = arith.constant 80 : i32
    %scan3A_69 = arith.addi %scan3A_67, %scan3A_68 : i32
    %scan3A_70 = arith.constant 1 : i32
    %scan3A_71 = scf.for %scan3A_118 = %scan3A_67 to %scan3A_69 step %scan3A_70 iter_args(%scan3A_119 = %scan3A_66) -> (i32)  : i32 {
      %jit3A = arith.constant 3 : i32
      %eq3A = arith.constant 0 : i32
      %eq3A_120 = arith.cmpi eq, %jit3A, %eq3A : i32
      %jit3A_121 = arith.constant 1 : i32
      %select_n3A = arith.select %eq3A_120, %jit3A_121, %jit3A : i32
      %rem3A = arith.remsi %scan3A_118, %select_n3A : i32
      %ne3A = arith.constant 0 : i32
      %ne3A_122 = arith.cmpi ne, %rem3A, %ne3A : i32
      %lt3A = arith.constant 0 : i32
      %lt3A_123 = arith.cmpi slt, %rem3A, %lt3A : i32
      %lt3A_124 = arith.constant 0 : i32
      %lt3A_125 = arith.cmpi slt, %select_n3A, %lt3A_124 : i32
      %ne3A_126 = arith.xori %lt3A_123, %lt3A_125 : i1
      %and3A = arith.andi %ne3A_126, %ne3A_122 : i1
      %add3A_127 = arith.addi %rem3A, %select_n3A : i32
      %select_n3A_128 = arith.select %and3A, %add3A_127, %rem3A : i32
      %eq3A_129 = arith.constant 0 : i32
      %eq3A_130 = arith.cmpi eq, %select_n3A_128, %eq3A_129 : i32
      %convert_element_type3A = arith.extui %eq3A_130 : i1 to i32
      %cond3A = arith.constant 0 : i32
      %cond3A_131 = arith.cmpi ne, %convert_element_type3A, %cond3A : i32
      scf.if %cond3A_131 {
        %dma_wait3A_175 = arith.constant 0 : i32
        %dma_wait3A_176 = arith.constant 0 : i32
        %dma_wait3A_177 = tpu.memref_slice %arg2[%dma_wait3A_175, %dma_wait3A_176] : memref<10000x128xf32, #tpu.memory_space<hbm>> -> memref<64x128xf32, #tpu.memory_space<hbm>>
        %dma_wait3A_178 = arith.constant 0 : i32
        %dma_wait3A_179 = arith.constant 0 : i32
        %dma_wait3A_180 = tpu.memref_slice %arg2[%dma_wait3A_178, %dma_wait3A_179] : memref<10000x128xf32, #tpu.memory_space<hbm>> -> memref<64x128xf32, #tpu.memory_space<hbm>>
        tpu.wait_dma2 semaphore(%arg11 : memref<!tpu.dma_semaphore, #tpu.memory_space<semaphore_mem>>) src(%dma_wait3A_180 : memref<64x128xf32, #tpu.memory_space<hbm>>) dst(%arg7 : memref<64x128xf32, #tpu.memory_space<vmem>>)
        %dma_start3A_181 = arith.constant 0 : i32
        %dma_start3A_182 = tpu.memref_slice %arg6[%scan3A_118, %dma_start3A_181] : memref<80x64xi32, #tpu.memory_space<vmem>> -> memref<1x64xi32, #tpu.memory_space<vmem>>
        %dma_start3A_183 = tpu.memref_squeeze %dma_start3A_182 : memref<1x64xi32, #tpu.memory_space<vmem>> -> memref<64xi32, #tpu.memory_space<vmem>>
        %dma_start3A_184 = arith.constant 0 : i32
        %dma_start3A_185 = arith.constant 0 : i32
        %dma_start3A_186 = tpu.memref_slice %arg10[%dma_start3A_184, %dma_start3A_185] : memref<10240x128xf32, #tpu.memory_space<vmem_shared>> -> memref<10240x128xf32, #tpu.memory_space<vmem_shared>>
        tpu.enqueue_indirect_dma source(%arg7 : memref<64x128xf32, #tpu.memory_space<vmem>>) target(%dma_start3A_186 : memref<10240x128xf32, #tpu.memory_space<vmem_shared>>) offsets(%dma_start3A_183 : memref<64xi32, #tpu.memory_space<vmem>>) semaphore(%arg14 : memref<!tpu.dma_semaphore, #tpu.memory_space<semaphore_mem>>) {add = true}
        %ge3A = arith.constant 1 : i32
        %ge3A_187 = arith.cmpi sge, %scan3A_118, %ge3A : i32
        %convert_element_type3A_188 = arith.extui %ge3A_187 : i1 to i32
        %cond3A_189 = arith.constant 0 : i32
        %cond3A_190 = arith.cmpi ne, %convert_element_type3A_188, %cond3A_189 : i32
        scf.if %cond3A_190 {
          %dma_wait3A_198 = arith.constant 0 : i32
          %dma_wait3A_199 = tpu.memref_slice %arg6[%scan3A_118, %dma_wait3A_198] : memref<80x64xi32, #tpu.memory_space<vmem>> -> memref<1x64xi32, #tpu.memory_space<vmem>>
          %dma_wait3A_200 = tpu.memref_squeeze %dma_wait3A_199 : memref<1x64xi32, #tpu.memory_space<vmem>> -> memref<64xi32, #tpu.memory_space<vmem>>
          %dma_wait3A_201 = arith.constant 0 : i32
          %dma_wait3A_202 = arith.constant 0 : i32
          %dma_wait3A_203 = tpu.memref_slice %arg10[%dma_wait3A_201, %dma_wait3A_202] : memref<10240x128xf32, #tpu.memory_space<vmem_shared>> -> memref<10240x128xf32, #tpu.memory_space<vmem_shared>>
          tpu.wait_indirect_dma semaphore(%arg16 : memref<!tpu.dma_semaphore, #tpu.memory_space<semaphore_mem>>) src(%arg9 : memref<64x128xf32, #tpu.memory_space<vmem>>) dst(%dma_wait3A_203 : memref<10240x128xf32, #tpu.memory_space<vmem_shared>>)
        } else {
        }
        %add3A_191 = arith.constant 2 : i32
        %add3A_192 = arith.addi %scan3A_118, %add3A_191 : i32
        %lt3A_193 = arith.constant 80 : i32
        %lt3A_194 = arith.cmpi slt, %add3A_192, %lt3A_193 : i32
        %convert_element_type3A_195 = arith.extui %lt3A_194 : i1 to i32
        %cond3A_196 = arith.constant 0 : i32
        %cond3A_197 = arith.cmpi ne, %convert_element_type3A_195, %cond3A_196 : i32
        scf.if %cond3A_197 {
          %add3A_198 = arith.constant 2 : i32
          %add3A_199 = arith.addi %scan3A_118, %add3A_198 : i32
          %dma_start3A_200 = arith.constant 0 : i32
          %dma_start3A_201 = tpu.memref_slice %arg5[%add3A_199, %dma_start3A_200] : memref<80x64xi32, #tpu.memory_space<vmem>> -> memref<1x64xi32, #tpu.memory_space<vmem>>
          %dma_start3A_202 = tpu.memref_squeeze %dma_start3A_201 : memref<1x64xi32, #tpu.memory_space<vmem>> -> memref<64xi32, #tpu.memory_space<vmem>>
          %dma_start3A_203 = arith.constant 0 : i32
          %dma_start3A_204 = arith.constant 0 : i32
          %dma_start3A_205 = tpu.memref_slice %arg2[%dma_start3A_203, %dma_start3A_204] : memref<10000x128xf32, #tpu.memory_space<hbm>> -> memref<10000x128xf32, #tpu.memory_space<hbm>>
          tpu.enqueue_indirect_dma source(%dma_start3A_205 : memref<10000x128xf32, #tpu.memory_space<hbm>>) target(%arg9 : memref<64x128xf32, #tpu.memory_space<vmem>>) offsets(%dma_start3A_202 : memref<64xi32, #tpu.memory_space<vmem>>) semaphore(%arg13 : memref<!tpu.dma_semaphore, #tpu.memory_space<semaphore_mem>>)
        } else {
        }
      } else {
      }
      %jit3A_132 = arith.constant 3 : i32
      %eq3A_133 = arith.constant 0 : i32
      %eq3A_134 = arith.cmpi eq, %jit3A_132, %eq3A_133 : i32
      %jit3A_135 = arith.constant 1 : i32
      %select_n3A_136 = arith.select %eq3A_134, %jit3A_135, %jit3A_132 : i32
      %rem3A_137 = arith.remsi %scan3A_118, %select_n3A_136 : i32
      %ne3A_138 = arith.constant 0 : i32
      %ne3A_139 = arith.cmpi ne, %rem3A_137, %ne3A_138 : i32
      %lt3A_140 = arith.constant 0 : i32
      %lt3A_141 = arith.cmpi slt, %rem3A_137, %lt3A_140 : i32
      %lt3A_142 = arith.constant 0 : i32
      %lt3A_143 = arith.cmpi slt, %select_n3A_136, %lt3A_142 : i32
      %ne3A_144 = arith.xori %lt3A_141, %lt3A_143 : i1
      %and3A_145 = arith.andi %ne3A_144, %ne3A_139 : i1
      %add3A_146 = arith.addi %rem3A_137, %select_n3A_136 : i32
      %select_n3A_147 = arith.select %and3A_145, %add3A_146, %rem3A_137 : i32
      %eq3A_148 = arith.constant 1 : i32
      %eq3A_149 = arith.cmpi eq, %select_n3A_147, %eq3A_148 : i32
      %convert_element_type3A_150 = arith.extui %eq3A_149 : i1 to i32
      %cond3A_151 = arith.constant 0 : i32
      %cond3A_152 = arith.cmpi ne, %convert_element_type3A_150, %cond3A_151 : i32
      scf.if %cond3A_152 {
        %dma_wait3A_175 = arith.constant 0 : i32
        %dma_wait3A_176 = arith.constant 0 : i32
        %dma_wait3A_177 = tpu.memref_slice %arg2[%dma_wait3A_175, %dma_wait3A_176] : memref<10000x128xf32, #tpu.memory_space<hbm>> -> memref<64x128xf32, #tpu.memory_space<hbm>>
        %dma_wait3A_178 = arith.constant 0 : i32
        %dma_wait3A_179 = arith.constant 0 : i32
        %dma_wait3A_180 = tpu.memref_slice %arg2[%dma_wait3A_178, %dma_wait3A_179] : memref<10000x128xf32, #tpu.memory_space<hbm>> -> memref<64x128xf32, #tpu.memory_space<hbm>>
        tpu.wait_dma2 semaphore(%arg12 : memref<!tpu.dma_semaphore, #tpu.memory_space<semaphore_mem>>) src(%dma_wait3A_180 : memref<64x128xf32, #tpu.memory_space<hbm>>) dst(%arg8 : memref<64x128xf32, #tpu.memory_space<vmem>>)
        %dma_start3A_181 = arith.constant 0 : i32
        %dma_start3A_182 = tpu.memref_slice %arg6[%scan3A_118, %dma_start3A_181] : memref<80x64xi32, #tpu.memory_space<vmem>> -> memref<1x64xi32, #tpu.memory_space<vmem>>
        %dma_start3A_183 = tpu.memref_squeeze %dma_start3A_182 : memref<1x64xi32, #tpu.memory_space<vmem>> -> memref<64xi32, #tpu.memory_space<vmem>>
        %dma_start3A_184 = arith.constant 0 : i32
        %dma_start3A_185 = arith.constant 0 : i32
        %dma_start3A_186 = tpu.memref_slice %arg10[%dma_start3A_184, %dma_start3A_185] : memref<10240x128xf32, #tpu.memory_space<vmem_shared>> -> memref<10240x128xf32, #tpu.memory_space<vmem_shared>>
        tpu.enqueue_indirect_dma source(%arg8 : memref<64x128xf32, #tpu.memory_space<vmem>>) target(%dma_start3A_186 : memref<10240x128xf32, #tpu.memory_space<vmem_shared>>) offsets(%dma_start3A_183 : memref<64xi32, #tpu.memory_space<vmem>>) semaphore(%arg15 : memref<!tpu.dma_semaphore, #tpu.memory_space<semaphore_mem>>) {add = true}
        %ge3A = arith.constant 1 : i32
        %ge3A_187 = arith.cmpi sge, %scan3A_118, %ge3A : i32
        %convert_element_type3A_188 = arith.extui %ge3A_187 : i1 to i32
        %cond3A_189 = arith.constant 0 : i32
        %cond3A_190 = arith.cmpi ne, %convert_element_type3A_188, %cond3A_189 : i32
        scf.if %cond3A_190 {
          %dma_wait3A_198 = arith.constant 0 : i32
          %dma_wait3A_199 = tpu.memref_slice %arg6[%scan3A_118, %dma_wait3A_198] : memref<80x64xi32, #tpu.memory_space<vmem>> -> memref<1x64xi32, #tpu.memory_space<vmem>>
          %dma_wait3A_200 = tpu.memref_squeeze %dma_wait3A_199 : memref<1x64xi32, #tpu.memory_space<vmem>> -> memref<64xi32, #tpu.memory_space<vmem>>
          %dma_wait3A_201 = arith.constant 0 : i32
          %dma_wait3A_202 = arith.constant 0 : i32
          %dma_wait3A_203 = tpu.memref_slice %arg10[%dma_wait3A_201, %dma_wait3A_202] : memref<10240x128xf32, #tpu.memory_space<vmem_shared>> -> memref<10240x128xf32, #tpu.memory_space<vmem_shared>>
          tpu.wait_indirect_dma semaphore(%arg14 : memref<!tpu.dma_semaphore, #tpu.memory_space<semaphore_mem>>) src(%arg7 : memref<64x128xf32, #tpu.memory_space<vmem>>) dst(%dma_wait3A_203 : memref<10240x128xf32, #tpu.memory_space<vmem_shared>>)
        } else {
        }
        %add3A_191 = arith.constant 2 : i32
        %add3A_192 = arith.addi %scan3A_118, %add3A_191 : i32
        %lt3A_193 = arith.constant 80 : i32
        %lt3A_194 = arith.cmpi slt, %add3A_192, %lt3A_193 : i32
        %convert_element_type3A_195 = arith.extui %lt3A_194 : i1 to i32
        %cond3A_196 = arith.constant 0 : i32
        %cond3A_197 = arith.cmpi ne, %convert_element_type3A_195, %cond3A_196 : i32
        scf.if %cond3A_197 {
          %add3A_198 = arith.constant 2 : i32
          %add3A_199 = arith.addi %scan3A_118, %add3A_198 : i32
          %dma_start3A_200 = arith.constant 0 : i32
          %dma_start3A_201 = tpu.memref_slice %arg5[%add3A_199, %dma_start3A_200] : memref<80x64xi32, #tpu.memory_space<vmem>> -> memref<1x64xi32, #tpu.memory_space<vmem>>
          %dma_start3A_202 = tpu.memref_squeeze %dma_start3A_201 : memref<1x64xi32, #tpu.memory_space<vmem>> -> memref<64xi32, #tpu.memory_space<vmem>>
          %dma_start3A_203 = arith.constant 0 : i32
          %dma_start3A_204 = arith.constant 0 : i32
          %dma_start3A_205 = tpu.memref_slice %arg2[%dma_start3A_203, %dma_start3A_204] : memref<10000x128xf32, #tpu.memory_space<hbm>> -> memref<10000x128xf32, #tpu.memory_space<hbm>>
          tpu.enqueue_indirect_dma source(%dma_start3A_205 : memref<10000x128xf32, #tpu.memory_space<hbm>>) target(%arg7 : memref<64x128xf32, #tpu.memory_space<vmem>>) offsets(%dma_start3A_202 : memref<64xi32, #tpu.memory_space<vmem>>) semaphore(%arg11 : memref<!tpu.dma_semaphore, #tpu.memory_space<semaphore_mem>>)
        } else {
        }
      } else {
      }
      %jit3A_153 = arith.constant 3 : i32
      %eq3A_154 = arith.constant 0 : i32
      %eq3A_155 = arith.cmpi eq, %jit3A_153, %eq3A_154 : i32
      %jit3A_156 = arith.constant 1 : i32
      %select_n3A_157 = arith.select %eq3A_155, %jit3A_156, %jit3A_153 : i32
      %rem3A_158 = arith.remsi %scan3A_118, %select_n3A_157 : i32
      %ne3A_159 = arith.constant 0 : i32
      %ne3A_160 = arith.cmpi ne, %rem3A_158, %ne3A_159 : i32
      %lt3A_161 = arith.constant 0 : i32
      %lt3A_162 = arith.cmpi slt, %rem3A_158, %lt3A_161 : i32
      %lt3A_163 = arith.constant 0 : i32
      %lt3A_164 = arith.cmpi slt, %select_n3A_157, %lt3A_163 : i32
      %ne3A_165 = arith.xori %lt3A_162, %lt3A_164 : i1
      %and3A_166 = arith.andi %ne3A_165, %ne3A_160 : i1
      %add3A_167 = arith.addi %rem3A_158, %select_n3A_157 : i32
      %select_n3A_168 = arith.select %and3A_166, %add3A_167, %rem3A_158 : i32
      %eq3A_169 = arith.constant 2 : i32
      %eq3A_170 = arith.cmpi eq, %select_n3A_168, %eq3A_169 : i32
      %convert_element_type3A_171 = arith.extui %eq3A_170 : i1 to i32
      %cond3A_172 = arith.constant 0 : i32
      %cond3A_173 = arith.cmpi ne, %convert_element_type3A_171, %cond3A_172 : i32
      scf.if %cond3A_173 {
        %dma_wait3A_175 = arith.constant 0 : i32
        %dma_wait3A_176 = arith.constant 0 : i32
        %dma_wait3A_177 = tpu.memref_slice %arg2[%dma_wait3A_175, %dma_wait3A_176] : memref<10000x128xf32, #tpu.memory_space<hbm>> -> memref<64x128xf32, #tpu.memory_space<hbm>>
        %dma_wait3A_178 = arith.constant 0 : i32
        %dma_wait3A_179 = arith.constant 0 : i32
        %dma_wait3A_180 = tpu.memref_slice %arg2[%dma_wait3A_178, %dma_wait3A_179] : memref<10000x128xf32, #tpu.memory_space<hbm>> -> memref<64x128xf32, #tpu.memory_space<hbm>>
        tpu.wait_dma2 semaphore(%arg13 : memref<!tpu.dma_semaphore, #tpu.memory_space<semaphore_mem>>) src(%dma_wait3A_180 : memref<64x128xf32, #tpu.memory_space<hbm>>) dst(%arg9 : memref<64x128xf32, #tpu.memory_space<vmem>>)
        %dma_start3A_181 = arith.constant 0 : i32
        %dma_start3A_182 = tpu.memref_slice %arg6[%scan3A_118, %dma_start3A_181] : memref<80x64xi32, #tpu.memory_space<vmem>> -> memref<1x64xi32, #tpu.memory_space<vmem>>
        %dma_start3A_183 = tpu.memref_squeeze %dma_start3A_182 : memref<1x64xi32, #tpu.memory_space<vmem>> -> memref<64xi32, #tpu.memory_space<vmem>>
        %dma_start3A_184 = arith.constant 0 : i32
        %dma_start3A_185 = arith.constant 0 : i32
        %dma_start3A_186 = tpu.memref_slice %arg10[%dma_start3A_184, %dma_start3A_185] : memref<10240x128xf32, #tpu.memory_space<vmem_shared>> -> memref<10240x128xf32, #tpu.memory_space<vmem_shared>>
        tpu.enqueue_indirect_dma source(%arg9 : memref<64x128xf32, #tpu.memory_space<vmem>>) target(%dma_start3A_186 : memref<10240x128xf32, #tpu.memory_space<vmem_shared>>) offsets(%dma_start3A_183 : memref<64xi32, #tpu.memory_space<vmem>>) semaphore(%arg16 : memref<!tpu.dma_semaphore, #tpu.memory_space<semaphore_mem>>) {add = true}
        %ge3A = arith.constant 1 : i32
        %ge3A_187 = arith.cmpi sge, %scan3A_118, %ge3A : i32
        %convert_element_type3A_188 = arith.extui %ge3A_187 : i1 to i32
        %cond3A_189 = arith.constant 0 : i32
        %cond3A_190 = arith.cmpi ne, %convert_element_type3A_188, %cond3A_189 : i32
        scf.if %cond3A_190 {
          %dma_wait3A_198 = arith.constant 0 : i32
          %dma_wait3A_199 = tpu.memref_slice %arg6[%scan3A_118, %dma_wait3A_198] : memref<80x64xi32, #tpu.memory_space<vmem>> -> memref<1x64xi32, #tpu.memory_space<vmem>>
          %dma_wait3A_200 = tpu.memref_squeeze %dma_wait3A_199 : memref<1x64xi32, #tpu.memory_space<vmem>> -> memref<64xi32, #tpu.memory_space<vmem>>
          %dma_wait3A_201 = arith.constant 0 : i32
          %dma_wait3A_202 = arith.constant 0 : i32
          %dma_wait3A_203 = tpu.memref_slice %arg10[%dma_wait3A_201, %dma_wait3A_202] : memref<10240x128xf32, #tpu.memory_space<vmem_shared>> -> memref<10240x128xf32, #tpu.memory_space<vmem_shared>>
          tpu.wait_indirect_dma semaphore(%arg15 : memref<!tpu.dma_semaphore, #tpu.memory_space<semaphore_mem>>) src(%arg8 : memref<64x128xf32, #tpu.memory_space<vmem>>) dst(%dma_wait3A_203 : memref<10240x128xf32, #tpu.memory_space<vmem_shared>>)
        } else {
        }
        %add3A_191 = arith.constant 2 : i32
        %add3A_192 = arith.addi %scan3A_118, %add3A_191 : i32
        %lt3A_193 = arith.constant 80 : i32
        %lt3A_194 = arith.cmpi slt, %add3A_192, %lt3A_193 : i32
        %convert_element_type3A_195 = arith.extui %lt3A_194 : i1 to i32
        %cond3A_196 = arith.constant 0 : i32
        %cond3A_197 = arith.cmpi ne, %convert_element_type3A_195, %cond3A_196 : i32
        scf.if %cond3A_197 {
          %add3A_198 = arith.constant 2 : i32
          %add3A_199 = arith.addi %scan3A_118, %add3A_198 : i32
          %dma_start3A_200 = arith.constant 0 : i32
          %dma_start3A_201 = tpu.memref_slice %arg5[%add3A_199, %dma_start3A_200] : memref<80x64xi32, #tpu.memory_space<vmem>> -> memref<1x64xi32, #tpu.memory_space<vmem>>
          %dma_start3A_202 = tpu.memref_squeeze %dma_start3A_201 : memref<1x64xi32, #tpu.memory_space<vmem>> -> memref<64xi32, #tpu.memory_space<vmem>>
          %dma_start3A_203 = arith.constant 0 : i32
          %dma_start3A_204 = arith.constant 0 : i32
          %dma_start3A_205 = tpu.memref_slice %arg2[%dma_start3A_203, %dma_start3A_204] : memref<10000x128xf32, #tpu.memory_space<hbm>> -> memref<10000x128xf32, #tpu.memory_space<hbm>>
          tpu.enqueue_indirect_dma source(%dma_start3A_205 : memref<10000x128xf32, #tpu.memory_space<hbm>>) target(%arg8 : memref<64x128xf32, #tpu.memory_space<vmem>>) offsets(%dma_start3A_202 : memref<64xi32, #tpu.memory_space<vmem>>) semaphore(%arg12 : memref<!tpu.dma_semaphore, #tpu.memory_space<semaphore_mem>>)
        } else {
        }
      } else {
      }
      %scan3A_174 = arith.constant 0 : i32
      scf.yield %scan3A_174 : i32
    }
    %scan3A_72 = arith.constant 80 : i32
    %dma_wait3A = arith.constant 0 : i32
    %dma_wait3A_73 = arith.constant 0 : i32
    %dma_wait3A_74 = tpu.memref_slice %arg6[%dma_wait3A, %dma_wait3A_73] : memref<80x64xi32, #tpu.memory_space<vmem>> -> memref<1x64xi32, #tpu.memory_space<vmem>>
    %dma_wait3A_75 = tpu.memref_squeeze %dma_wait3A_74 : memref<1x64xi32, #tpu.memory_space<vmem>> -> memref<64xi32, #tpu.memory_space<vmem>>
    %dma_wait3A_76 = arith.constant 0 : i32
    %dma_wait3A_77 = arith.constant 0 : i32
    %dma_wait3A_78 = tpu.memref_slice %arg10[%dma_wait3A_76, %dma_wait3A_77] : memref<10240x128xf32, #tpu.memory_space<vmem_shared>> -> memref<10240x128xf32, #tpu.memory_space<vmem_shared>>
    tpu.wait_indirect_dma semaphore(%arg15 : memref<!tpu.dma_semaphore, #tpu.memory_space<semaphore_mem>>) src(%arg8 : memref<64x128xf32, #tpu.memory_space<vmem>>) dst(%dma_wait3A_78 : memref<10240x128xf32, #tpu.memory_space<vmem_shared>>)
    %mul3A_79 = arith.constant 160 : i32
    %mul3A_80 = arith.muli %add3A, %mul3A_79 : i32
    %add3A_81 = arith.constant 80 : i32
    %add3A_82 = arith.addi %mul3A_80, %add3A_81 : i32
    %run_scoped3A_83 = arith.constant 1 : i32
    "tpu.region"() ({
      %run_scoped3A_118 = tpu.sem_alloc : memref<!tpu.dma_semaphore, #tpu.memory_space<semaphore_mem>>
      %dma_start3A_119 = arith.constant 0 : i32
      %dma_start3A_120 = tpu.memref_slice %arg3[%run_scoped3A_83, %add3A_82, %dma_start3A_119] : memref<2x5120x64xi32, #tpu.memory_space<hbm>> -> memref<1x80x64xi32, #tpu.memory_space<hbm>>
      %dma_start3A_121 = tpu.memref_squeeze %dma_start3A_120 : memref<1x80x64xi32, #tpu.memory_space<hbm>> -> memref<80x64xi32, #tpu.memory_space<hbm>>
      %dma_start3A_122 = arith.constant 0 : i32
      %dma_start3A_123 = tpu.memref_slice %arg3[%run_scoped3A_83, %add3A_82, %dma_start3A_122] : memref<2x5120x64xi32, #tpu.memory_space<hbm>> -> memref<1x80x64xi32, #tpu.memory_space<hbm>>
      %dma_start3A_124 = tpu.memref_squeeze %dma_start3A_123 : memref<1x80x64xi32, #tpu.memory_space<hbm>> -> memref<80x64xi32, #tpu.memory_space<hbm>>
      tpu.enqueue_dma source(%dma_start3A_124 : memref<80x64xi32, #tpu.memory_space<hbm>>) target(%arg5 : memref<80x64xi32, #tpu.memory_space<vmem>>) target_semaphore(%run_scoped3A_118 : memref<!tpu.dma_semaphore, #tpu.memory_space<semaphore_mem>>)
      %dma_wait3A_125 = arith.constant 0 : i32
      %dma_wait3A_126 = tpu.memref_slice %arg3[%run_scoped3A_83, %add3A_82, %dma_wait3A_125] : memref<2x5120x64xi32, #tpu.memory_space<hbm>> -> memref<1x80x64xi32, #tpu.memory_space<hbm>>
      %dma_wait3A_127 = tpu.memref_squeeze %dma_wait3A_126 : memref<1x80x64xi32, #tpu.memory_space<hbm>> -> memref<80x64xi32, #tpu.memory_space<hbm>>
      %dma_wait3A_128 = arith.constant 0 : i32
      %dma_wait3A_129 = tpu.memref_slice %arg3[%run_scoped3A_83, %add3A_82, %dma_wait3A_128] : memref<2x5120x64xi32, #tpu.memory_space<hbm>> -> memref<1x80x64xi32, #tpu.memory_space<hbm>>
      %dma_wait3A_130 = tpu.memref_squeeze %dma_wait3A_129 : memref<1x80x64xi32, #tpu.memory_space<hbm>> -> memref<80x64xi32, #tpu.memory_space<hbm>>
      tpu.wait_dma2 semaphore(%run_scoped3A_118 : memref<!tpu.dma_semaphore, #tpu.memory_space<semaphore_mem>>) src(%dma_wait3A_130 : memref<80x64xi32, #tpu.memory_space<hbm>>) dst(%arg5 : memref<80x64xi32, #tpu.memory_space<vmem>>)
      tpu.yield
    }) : () -> ()
    %run_scoped3A_84 = arith.constant 0 : i32
    "tpu.region"() ({
      %run_scoped3A_118 = tpu.sem_alloc : memref<!tpu.dma_semaphore, #tpu.memory_space<semaphore_mem>>
      %dma_start3A_119 = arith.constant 0 : i32
      %dma_start3A_120 = tpu.memref_slice %arg3[%run_scoped3A_84, %add3A_82, %dma_start3A_119] : memref<2x5120x64xi32, #tpu.memory_space<hbm>> -> memref<1x80x64xi32, #tpu.memory_space<hbm>>
      %dma_start3A_121 = tpu.memref_squeeze %dma_start3A_120 : memref<1x80x64xi32, #tpu.memory_space<hbm>> -> memref<80x64xi32, #tpu.memory_space<hbm>>
      %dma_start3A_122 = arith.constant 0 : i32
      %dma_start3A_123 = tpu.memref_slice %arg3[%run_scoped3A_84, %add3A_82, %dma_start3A_122] : memref<2x5120x64xi32, #tpu.memory_space<hbm>> -> memref<1x80x64xi32, #tpu.memory_space<hbm>>
      %dma_start3A_124 = tpu.memref_squeeze %dma_start3A_123 : memref<1x80x64xi32, #tpu.memory_space<hbm>> -> memref<80x64xi32, #tpu.memory_space<hbm>>
      tpu.enqueue_dma source(%dma_start3A_124 : memref<80x64xi32, #tpu.memory_space<hbm>>) target(%arg6 : memref<80x64xi32, #tpu.memory_space<vmem>>) target_semaphore(%run_scoped3A_118 : memref<!tpu.dma_semaphore, #tpu.memory_space<semaphore_mem>>)
      %dma_wait3A_125 = arith.constant 0 : i32
      %dma_wait3A_126 = tpu.memref_slice %arg3[%run_scoped3A_84, %add3A_82, %dma_wait3A_125] : memref<2x5120x64xi32, #tpu.memory_space<hbm>> -> memref<1x80x64xi32, #tpu.memory_space<hbm>>
      %dma_wait3A_127 = tpu.memref_squeeze %dma_wait3A_126 : memref<1x80x64xi32, #tpu.memory_space<hbm>> -> memref<80x64xi32, #tpu.memory_space<hbm>>
      %dma_wait3A_128 = arith.constant 0 : i32
      %dma_wait3A_129 = tpu.memref_slice %arg3[%run_scoped3A_84, %add3A_82, %dma_wait3A_128] : memref<2x5120x64xi32, #tpu.memory_space<hbm>> -> memref<1x80x64xi32, #tpu.memory_space<hbm>>
      %dma_wait3A_130 = tpu.memref_squeeze %dma_wait3A_129 : memref<1x80x64xi32, #tpu.memory_space<hbm>> -> memref<80x64xi32, #tpu.memory_space<hbm>>
      tpu.wait_dma2 semaphore(%run_scoped3A_118 : memref<!tpu.dma_semaphore, #tpu.memory_space<semaphore_mem>>) src(%dma_wait3A_130 : memref<80x64xi32, #tpu.memory_space<hbm>>) dst(%arg6 : memref<80x64xi32, #tpu.memory_space<vmem>>)
      tpu.yield
    }) : () -> ()
    %dma_start3A_85 = arith.constant 0 : i32
    %dma_start3A_86 = arith.constant 0 : i32
    %dma_start3A_87 = tpu.memref_slice %arg5[%dma_start3A_85, %dma_start3A_86] : memref<80x64xi32, #tpu.memory_space<vmem>> -> memref<1x64xi32, #tpu.memory_space<vmem>>
    %dma_start3A_88 = tpu.memref_squeeze %dma_start3A_87 : memref<1x64xi32, #tpu.memory_space<vmem>> -> memref<64xi32, #tpu.memory_space<vmem>>
    %dma_start3A_89 = arith.constant 0 : i32
    %dma_start3A_90 = arith.constant 0 : i32
    %dma_start3A_91 = tpu.memref_slice %arg2[%dma_start3A_89, %dma_start3A_90] : memref<10000x128xf32, #tpu.memory_space<hbm>> -> memref<10000x128xf32, #tpu.memory_space<hbm>>
    tpu.enqueue_indirect_dma source(%dma_start3A_91 : memref<10000x128xf32, #tpu.memory_space<hbm>>) target(%arg7 : memref<64x128xf32, #tpu.memory_space<vmem>>) offsets(%dma_start3A_88 : memref<64xi32, #tpu.memory_space<vmem>>) semaphore(%arg11 : memref<!tpu.dma_semaphore, #tpu.memory_space<semaphore_mem>>)
    %dma_start3A_92 = arith.constant 1 : i32
    %dma_start3A_93 = arith.constant 0 : i32
    %dma_start3A_94 = tpu.memref_slice %arg5[%dma_start3A_92, %dma_start3A_93] : memref<80x64xi32, #tpu.memory_space<vmem>> -> memref<1x64xi32, #tpu.memory_space<vmem>>
    %dma_start3A_95 = tpu.memref_squeeze %dma_start3A_94 : memref<1x64xi32, #tpu.memory_space<vmem>> -> memref<64xi32, #tpu.memory_space<vmem>>
    %dma_start3A_96 = arith.constant 0 : i32
    %dma_start3A_97 = arith.constant 0 : i32
    %dma_start3A_98 = tpu.memref_slice %arg2[%dma_start3A_96, %dma_start3A_97] : memref<10000x128xf32, #tpu.memory_space<hbm>> -> memref<10000x128xf32, #tpu.memory_space<hbm>>
    tpu.enqueue_indirect_dma source(%dma_start3A_98 : memref<10000x128xf32, #tpu.memory_space<hbm>>) target(%arg8 : memref<64x128xf32, #tpu.memory_space<vmem>>) offsets(%dma_start3A_95 : memref<64xi32, #tpu.memory_space<vmem>>) semaphore(%arg12 : memref<!tpu.dma_semaphore, #tpu.memory_space<semaphore_mem>>)
    %scan3A_99 = arith.constant 0 : i32
    %scan3A_100 = arith.constant 0 : i32
    %scan3A_101 = arith.constant 80 : i32
    %scan3A_102 = arith.addi %scan3A_100, %scan3A_101 : i32
    %scan3A_103 = arith.constant 1 : i32
    %scan3A_104 = scf.for %scan3A_118 = %scan3A_100 to %scan3A_102 step %scan3A_103 iter_args(%scan3A_119 = %scan3A_99) -> (i32)  : i32 {
      %jit3A = arith.constant 3 : i32
      %eq3A = arith.constant 0 : i32
      %eq3A_120 = arith.cmpi eq, %jit3A, %eq3A : i32
      %jit3A_121 = arith.constant 1 : i32
      %select_n3A = arith.select %eq3A_120, %jit3A_121, %jit3A : i32
      %rem3A = arith.remsi %scan3A_118, %select_n3A : i32
      %ne3A = arith.constant 0 : i32
      %ne3A_122 = arith.cmpi ne, %rem3A, %ne3A : i32
      %lt3A = arith.constant 0 : i32
      %lt3A_123 = arith.cmpi slt, %rem3A, %lt3A : i32
      %lt3A_124 = arith.constant 0 : i32
      %lt3A_125 = arith.cmpi slt, %select_n3A, %lt3A_124 : i32
      %ne3A_126 = arith.xori %lt3A_123, %lt3A_125 : i1
      %and3A = arith.andi %ne3A_126, %ne3A_122 : i1
      %add3A_127 = arith.addi %rem3A, %select_n3A : i32
      %select_n3A_128 = arith.select %and3A, %add3A_127, %rem3A : i32
      %eq3A_129 = arith.constant 0 : i32
      %eq3A_130 = arith.cmpi eq, %select_n3A_128, %eq3A_129 : i32
      %convert_element_type3A = arith.extui %eq3A_130 : i1 to i32
      %cond3A = arith.constant 0 : i32
      %cond3A_131 = arith.cmpi ne, %convert_element_type3A, %cond3A : i32
      scf.if %cond3A_131 {
        %dma_wait3A_175 = arith.constant 0 : i32
        %dma_wait3A_176 = arith.constant 0 : i32
        %dma_wait3A_177 = tpu.memref_slice %arg2[%dma_wait3A_175, %dma_wait3A_176] : memref<10000x128xf32, #tpu.memory_space<hbm>> -> memref<64x128xf32, #tpu.memory_space<hbm>>
        %dma_wait3A_178 = arith.constant 0 : i32
        %dma_wait3A_179 = arith.constant 0 : i32
        %dma_wait3A_180 = tpu.memref_slice %arg2[%dma_wait3A_178, %dma_wait3A_179] : memref<10000x128xf32, #tpu.memory_space<hbm>> -> memref<64x128xf32, #tpu.memory_space<hbm>>
        tpu.wait_dma2 semaphore(%arg11 : memref<!tpu.dma_semaphore, #tpu.memory_space<semaphore_mem>>) src(%dma_wait3A_180 : memref<64x128xf32, #tpu.memory_space<hbm>>) dst(%arg7 : memref<64x128xf32, #tpu.memory_space<vmem>>)
        %dma_start3A_181 = arith.constant 0 : i32
        %dma_start3A_182 = tpu.memref_slice %arg6[%scan3A_118, %dma_start3A_181] : memref<80x64xi32, #tpu.memory_space<vmem>> -> memref<1x64xi32, #tpu.memory_space<vmem>>
        %dma_start3A_183 = tpu.memref_squeeze %dma_start3A_182 : memref<1x64xi32, #tpu.memory_space<vmem>> -> memref<64xi32, #tpu.memory_space<vmem>>
        %dma_start3A_184 = arith.constant 0 : i32
        %dma_start3A_185 = arith.constant 0 : i32
        %dma_start3A_186 = tpu.memref_slice %arg10[%dma_start3A_184, %dma_start3A_185] : memref<10240x128xf32, #tpu.memory_space<vmem_shared>> -> memref<10240x128xf32, #tpu.memory_space<vmem_shared>>
        tpu.enqueue_indirect_dma source(%arg7 : memref<64x128xf32, #tpu.memory_space<vmem>>) target(%dma_start3A_186 : memref<10240x128xf32, #tpu.memory_space<vmem_shared>>) offsets(%dma_start3A_183 : memref<64xi32, #tpu.memory_space<vmem>>) semaphore(%arg14 : memref<!tpu.dma_semaphore, #tpu.memory_space<semaphore_mem>>) {add = true}
        %ge3A = arith.constant 1 : i32
        %ge3A_187 = arith.cmpi sge, %scan3A_118, %ge3A : i32
        %convert_element_type3A_188 = arith.extui %ge3A_187 : i1 to i32
        %cond3A_189 = arith.constant 0 : i32
        %cond3A_190 = arith.cmpi ne, %convert_element_type3A_188, %cond3A_189 : i32
        scf.if %cond3A_190 {
          %dma_wait3A_198 = arith.constant 0 : i32
          %dma_wait3A_199 = tpu.memref_slice %arg6[%scan3A_118, %dma_wait3A_198] : memref<80x64xi32, #tpu.memory_space<vmem>> -> memref<1x64xi32, #tpu.memory_space<vmem>>
          %dma_wait3A_200 = tpu.memref_squeeze %dma_wait3A_199 : memref<1x64xi32, #tpu.memory_space<vmem>> -> memref<64xi32, #tpu.memory_space<vmem>>
          %dma_wait3A_201 = arith.constant 0 : i32
          %dma_wait3A_202 = arith.constant 0 : i32
          %dma_wait3A_203 = tpu.memref_slice %arg10[%dma_wait3A_201, %dma_wait3A_202] : memref<10240x128xf32, #tpu.memory_space<vmem_shared>> -> memref<10240x128xf32, #tpu.memory_space<vmem_shared>>
          tpu.wait_indirect_dma semaphore(%arg16 : memref<!tpu.dma_semaphore, #tpu.memory_space<semaphore_mem>>) src(%arg9 : memref<64x128xf32, #tpu.memory_space<vmem>>) dst(%dma_wait3A_203 : memref<10240x128xf32, #tpu.memory_space<vmem_shared>>)
        } else {
        }
        %add3A_191 = arith.constant 2 : i32
        %add3A_192 = arith.addi %scan3A_118, %add3A_191 : i32
        %lt3A_193 = arith.constant 80 : i32
        %lt3A_194 = arith.cmpi slt, %add3A_192, %lt3A_193 : i32
        %convert_element_type3A_195 = arith.extui %lt3A_194 : i1 to i32
        %cond3A_196 = arith.constant 0 : i32
        %cond3A_197 = arith.cmpi ne, %convert_element_type3A_195, %cond3A_196 : i32
        scf.if %cond3A_197 {
          %add3A_198 = arith.constant 2 : i32
          %add3A_199 = arith.addi %scan3A_118, %add3A_198 : i32
          %dma_start3A_200 = arith.constant 0 : i32
          %dma_start3A_201 = tpu.memref_slice %arg5[%add3A_199, %dma_start3A_200] : memref<80x64xi32, #tpu.memory_space<vmem>> -> memref<1x64xi32, #tpu.memory_space<vmem>>
          %dma_start3A_202 = tpu.memref_squeeze %dma_start3A_201 : memref<1x64xi32, #tpu.memory_space<vmem>> -> memref<64xi32, #tpu.memory_space<vmem>>
          %dma_start3A_203 = arith.constant 0 : i32
          %dma_start3A_204 = arith.constant 0 : i32
          %dma_start3A_205 = tpu.memref_slice %arg2[%dma_start3A_203, %dma_start3A_204] : memref<10000x128xf32, #tpu.memory_space<hbm>> -> memref<10000x128xf32, #tpu.memory_space<hbm>>
          tpu.enqueue_indirect_dma source(%dma_start3A_205 : memref<10000x128xf32, #tpu.memory_space<hbm>>) target(%arg9 : memref<64x128xf32, #tpu.memory_space<vmem>>) offsets(%dma_start3A_202 : memref<64xi32, #tpu.memory_space<vmem>>) semaphore(%arg13 : memref<!tpu.dma_semaphore, #tpu.memory_space<semaphore_mem>>)
        } else {
        }
      } else {
      }
      %jit3A_132 = arith.constant 3 : i32
      %eq3A_133 = arith.constant 0 : i32
      %eq3A_134 = arith.cmpi eq, %jit3A_132, %eq3A_133 : i32
      %jit3A_135 = arith.constant 1 : i32
      %select_n3A_136 = arith.select %eq3A_134, %jit3A_135, %jit3A_132 : i32
      %rem3A_137 = arith.remsi %scan3A_118, %select_n3A_136 : i32
      %ne3A_138 = arith.constant 0 : i32
      %ne3A_139 = arith.cmpi ne, %rem3A_137, %ne3A_138 : i32
      %lt3A_140 = arith.constant 0 : i32
      %lt3A_141 = arith.cmpi slt, %rem3A_137, %lt3A_140 : i32
      %lt3A_142 = arith.constant 0 : i32
      %lt3A_143 = arith.cmpi slt, %select_n3A_136, %lt3A_142 : i32
      %ne3A_144 = arith.xori %lt3A_141, %lt3A_143 : i1
      %and3A_145 = arith.andi %ne3A_144, %ne3A_139 : i1
      %add3A_146 = arith.addi %rem3A_137, %select_n3A_136 : i32
      %select_n3A_147 = arith.select %and3A_145, %add3A_146, %rem3A_137 : i32
      %eq3A_148 = arith.constant 1 : i32
      %eq3A_149 = arith.cmpi eq, %select_n3A_147, %eq3A_148 : i32
      %convert_element_type3A_150 = arith.extui %eq3A_149 : i1 to i32
      %cond3A_151 = arith.constant 0 : i32
      %cond3A_152 = arith.cmpi ne, %convert_element_type3A_150, %cond3A_151 : i32
      scf.if %cond3A_152 {
        %dma_wait3A_175 = arith.constant 0 : i32
        %dma_wait3A_176 = arith.constant 0 : i32
        %dma_wait3A_177 = tpu.memref_slice %arg2[%dma_wait3A_175, %dma_wait3A_176] : memref<10000x128xf32, #tpu.memory_space<hbm>> -> memref<64x128xf32, #tpu.memory_space<hbm>>
        %dma_wait3A_178 = arith.constant 0 : i32
        %dma_wait3A_179 = arith.constant 0 : i32
        %dma_wait3A_180 = tpu.memref_slice %arg2[%dma_wait3A_178, %dma_wait3A_179] : memref<10000x128xf32, #tpu.memory_space<hbm>> -> memref<64x128xf32, #tpu.memory_space<hbm>>
        tpu.wait_dma2 semaphore(%arg12 : memref<!tpu.dma_semaphore, #tpu.memory_space<semaphore_mem>>) src(%dma_wait3A_180 : memref<64x128xf32, #tpu.memory_space<hbm>>) dst(%arg8 : memref<64x128xf32, #tpu.memory_space<vmem>>)
        %dma_start3A_181 = arith.constant 0 : i32
        %dma_start3A_182 = tpu.memref_slice %arg6[%scan3A_118, %dma_start3A_181] : memref<80x64xi32, #tpu.memory_space<vmem>> -> memref<1x64xi32, #tpu.memory_space<vmem>>
        %dma_start3A_183 = tpu.memref_squeeze %dma_start3A_182 : memref<1x64xi32, #tpu.memory_space<vmem>> -> memref<64xi32, #tpu.memory_space<vmem>>
        %dma_start3A_184 = arith.constant 0 : i32
        %dma_start3A_185 = arith.constant 0 : i32
        %dma_start3A_186 = tpu.memref_slice %arg10[%dma_start3A_184, %dma_start3A_185] : memref<10240x128xf32, #tpu.memory_space<vmem_shared>> -> memref<10240x128xf32, #tpu.memory_space<vmem_shared>>
        tpu.enqueue_indirect_dma source(%arg8 : memref<64x128xf32, #tpu.memory_space<vmem>>) target(%dma_start3A_186 : memref<10240x128xf32, #tpu.memory_space<vmem_shared>>) offsets(%dma_start3A_183 : memref<64xi32, #tpu.memory_space<vmem>>) semaphore(%arg15 : memref<!tpu.dma_semaphore, #tpu.memory_space<semaphore_mem>>) {add = true}
        %ge3A = arith.constant 1 : i32
        %ge3A_187 = arith.cmpi sge, %scan3A_118, %ge3A : i32
        %convert_element_type3A_188 = arith.extui %ge3A_187 : i1 to i32
        %cond3A_189 = arith.constant 0 : i32
        %cond3A_190 = arith.cmpi ne, %convert_element_type3A_188, %cond3A_189 : i32
        scf.if %cond3A_190 {
          %dma_wait3A_198 = arith.constant 0 : i32
          %dma_wait3A_199 = tpu.memref_slice %arg6[%scan3A_118, %dma_wait3A_198] : memref<80x64xi32, #tpu.memory_space<vmem>> -> memref<1x64xi32, #tpu.memory_space<vmem>>
          %dma_wait3A_200 = tpu.memref_squeeze %dma_wait3A_199 : memref<1x64xi32, #tpu.memory_space<vmem>> -> memref<64xi32, #tpu.memory_space<vmem>>
          %dma_wait3A_201 = arith.constant 0 : i32
          %dma_wait3A_202 = arith.constant 0 : i32
          %dma_wait3A_203 = tpu.memref_slice %arg10[%dma_wait3A_201, %dma_wait3A_202] : memref<10240x128xf32, #tpu.memory_space<vmem_shared>> -> memref<10240x128xf32, #tpu.memory_space<vmem_shared>>
          tpu.wait_indirect_dma semaphore(%arg14 : memref<!tpu.dma_semaphore, #tpu.memory_space<semaphore_mem>>) src(%arg7 : memref<64x128xf32, #tpu.memory_space<vmem>>) dst(%dma_wait3A_203 : memref<10240x128xf32, #tpu.memory_space<vmem_shared>>)
        } else {
        }
        %add3A_191 = arith.constant 2 : i32
        %add3A_192 = arith.addi %scan3A_118, %add3A_191 : i32
        %lt3A_193 = arith.constant 80 : i32
        %lt3A_194 = arith.cmpi slt, %add3A_192, %lt3A_193 : i32
        %convert_element_type3A_195 = arith.extui %lt3A_194 : i1 to i32
        %cond3A_196 = arith.constant 0 : i32
        %cond3A_197 = arith.cmpi ne, %convert_element_type3A_195, %cond3A_196 : i32
        scf.if %cond3A_197 {
          %add3A_198 = arith.constant 2 : i32
          %add3A_199 = arith.addi %scan3A_118, %add3A_198 : i32
          %dma_start3A_200 = arith.constant 0 : i32
          %dma_start3A_201 = tpu.memref_slice %arg5[%add3A_199, %dma_start3A_200] : memref<80x64xi32, #tpu.memory_space<vmem>> -> memref<1x64xi32, #tpu.memory_space<vmem>>
          %dma_start3A_202 = tpu.memref_squeeze %dma_start3A_201 : memref<1x64xi32, #tpu.memory_space<vmem>> -> memref<64xi32, #tpu.memory_space<vmem>>
          %dma_start3A_203 = arith.constant 0 : i32
          %dma_start3A_204 = arith.constant 0 : i32
          %dma_start3A_205 = tpu.memref_slice %arg2[%dma_start3A_203, %dma_start3A_204] : memref<10000x128xf32, #tpu.memory_space<hbm>> -> memref<10000x128xf32, #tpu.memory_space<hbm>>
          tpu.enqueue_indirect_dma source(%dma_start3A_205 : memref<10000x128xf32, #tpu.memory_space<hbm>>) target(%arg7 : memref<64x128xf32, #tpu.memory_space<vmem>>) offsets(%dma_start3A_202 : memref<64xi32, #tpu.memory_space<vmem>>) semaphore(%arg11 : memref<!tpu.dma_semaphore, #tpu.memory_space<semaphore_mem>>)
        } else {
        }
      } else {
      }
      %jit3A_153 = arith.constant 3 : i32
      %eq3A_154 = arith.constant 0 : i32
      %eq3A_155 = arith.cmpi eq, %jit3A_153, %eq3A_154 : i32
      %jit3A_156 = arith.constant 1 : i32
      %select_n3A_157 = arith.select %eq3A_155, %jit3A_156, %jit3A_153 : i32
      %rem3A_158 = arith.remsi %scan3A_118, %select_n3A_157 : i32
      %ne3A_159 = arith.constant 0 : i32
      %ne3A_160 = arith.cmpi ne, %rem3A_158, %ne3A_159 : i32
      %lt3A_161 = arith.constant 0 : i32
      %lt3A_162 = arith.cmpi slt, %rem3A_158, %lt3A_161 : i32
      %lt3A_163 = arith.constant 0 : i32
      %lt3A_164 = arith.cmpi slt, %select_n3A_157, %lt3A_163 : i32
      %ne3A_165 = arith.xori %lt3A_162, %lt3A_164 : i1
      %and3A_166 = arith.andi %ne3A_165, %ne3A_160 : i1
      %add3A_167 = arith.addi %rem3A_158, %select_n3A_157 : i32
      %select_n3A_168 = arith.select %and3A_166, %add3A_167, %rem3A_158 : i32
      %eq3A_169 = arith.constant 2 : i32
      %eq3A_170 = arith.cmpi eq, %select_n3A_168, %eq3A_169 : i32
      %convert_element_type3A_171 = arith.extui %eq3A_170 : i1 to i32
      %cond3A_172 = arith.constant 0 : i32
      %cond3A_173 = arith.cmpi ne, %convert_element_type3A_171, %cond3A_172 : i32
      scf.if %cond3A_173 {
        %dma_wait3A_175 = arith.constant 0 : i32
        %dma_wait3A_176 = arith.constant 0 : i32
        %dma_wait3A_177 = tpu.memref_slice %arg2[%dma_wait3A_175, %dma_wait3A_176] : memref<10000x128xf32, #tpu.memory_space<hbm>> -> memref<64x128xf32, #tpu.memory_space<hbm>>
        %dma_wait3A_178 = arith.constant 0 : i32
        %dma_wait3A_179 = arith.constant 0 : i32
        %dma_wait3A_180 = tpu.memref_slice %arg2[%dma_wait3A_178, %dma_wait3A_179] : memref<10000x128xf32, #tpu.memory_space<hbm>> -> memref<64x128xf32, #tpu.memory_space<hbm>>
        tpu.wait_dma2 semaphore(%arg13 : memref<!tpu.dma_semaphore, #tpu.memory_space<semaphore_mem>>) src(%dma_wait3A_180 : memref<64x128xf32, #tpu.memory_space<hbm>>) dst(%arg9 : memref<64x128xf32, #tpu.memory_space<vmem>>)
        %dma_start3A_181 = arith.constant 0 : i32
        %dma_start3A_182 = tpu.memref_slice %arg6[%scan3A_118, %dma_start3A_181] : memref<80x64xi32, #tpu.memory_space<vmem>> -> memref<1x64xi32, #tpu.memory_space<vmem>>
        %dma_start3A_183 = tpu.memref_squeeze %dma_start3A_182 : memref<1x64xi32, #tpu.memory_space<vmem>> -> memref<64xi32, #tpu.memory_space<vmem>>
        %dma_start3A_184 = arith.constant 0 : i32
        %dma_start3A_185 = arith.constant 0 : i32
        %dma_start3A_186 = tpu.memref_slice %arg10[%dma_start3A_184, %dma_start3A_185] : memref<10240x128xf32, #tpu.memory_space<vmem_shared>> -> memref<10240x128xf32, #tpu.memory_space<vmem_shared>>
        tpu.enqueue_indirect_dma source(%arg9 : memref<64x128xf32, #tpu.memory_space<vmem>>) target(%dma_start3A_186 : memref<10240x128xf32, #tpu.memory_space<vmem_shared>>) offsets(%dma_start3A_183 : memref<64xi32, #tpu.memory_space<vmem>>) semaphore(%arg16 : memref<!tpu.dma_semaphore, #tpu.memory_space<semaphore_mem>>) {add = true}
        %ge3A = arith.constant 1 : i32
        %ge3A_187 = arith.cmpi sge, %scan3A_118, %ge3A : i32
        %convert_element_type3A_188 = arith.extui %ge3A_187 : i1 to i32
        %cond3A_189 = arith.constant 0 : i32
        %cond3A_190 = arith.cmpi ne, %convert_element_type3A_188, %cond3A_189 : i32
        scf.if %cond3A_190 {
          %dma_wait3A_198 = arith.constant 0 : i32
          %dma_wait3A_199 = tpu.memref_slice %arg6[%scan3A_118, %dma_wait3A_198] : memref<80x64xi32, #tpu.memory_space<vmem>> -> memref<1x64xi32, #tpu.memory_space<vmem>>
          %dma_wait3A_200 = tpu.memref_squeeze %dma_wait3A_199 : memref<1x64xi32, #tpu.memory_space<vmem>> -> memref<64xi32, #tpu.memory_space<vmem>>
          %dma_wait3A_201 = arith.constant 0 : i32
          %dma_wait3A_202 = arith.constant 0 : i32
          %dma_wait3A_203 = tpu.memref_slice %arg10[%dma_wait3A_201, %dma_wait3A_202] : memref<10240x128xf32, #tpu.memory_space<vmem_shared>> -> memref<10240x128xf32, #tpu.memory_space<vmem_shared>>
          tpu.wait_indirect_dma semaphore(%arg15 : memref<!tpu.dma_semaphore, #tpu.memory_space<semaphore_mem>>) src(%arg8 : memref<64x128xf32, #tpu.memory_space<vmem>>) dst(%dma_wait3A_203 : memref<10240x128xf32, #tpu.memory_space<vmem_shared>>)
        } else {
        }
        %add3A_191 = arith.constant 2 : i32
        %add3A_192 = arith.addi %scan3A_118, %add3A_191 : i32
        %lt3A_193 = arith.constant 80 : i32
        %lt3A_194 = arith.cmpi slt, %add3A_192, %lt3A_193 : i32
        %convert_element_type3A_195 = arith.extui %lt3A_194 : i1 to i32
        %cond3A_196 = arith.constant 0 : i32
        %cond3A_197 = arith.cmpi ne, %convert_element_type3A_195, %cond3A_196 : i32
        scf.if %cond3A_197 {
          %add3A_198 = arith.constant 2 : i32
          %add3A_199 = arith.addi %scan3A_118, %add3A_198 : i32
          %dma_start3A_200 = arith.constant 0 : i32
          %dma_start3A_201 = tpu.memref_slice %arg5[%add3A_199, %dma_start3A_200] : memref<80x64xi32, #tpu.memory_space<vmem>> -> memref<1x64xi32, #tpu.memory_space<vmem>>
          %dma_start3A_202 = tpu.memref_squeeze %dma_start3A_201 : memref<1x64xi32, #tpu.memory_space<vmem>> -> memref<64xi32, #tpu.memory_space<vmem>>
          %dma_start3A_203 = arith.constant 0 : i32
          %dma_start3A_204 = arith.constant 0 : i32
          %dma_start3A_205 = tpu.memref_slice %arg2[%dma_start3A_203, %dma_start3A_204] : memref<10000x128xf32, #tpu.memory_space<hbm>> -> memref<10000x128xf32, #tpu.memory_space<hbm>>
          tpu.enqueue_indirect_dma source(%dma_start3A_205 : memref<10000x128xf32, #tpu.memory_space<hbm>>) target(%arg8 : memref<64x128xf32, #tpu.memory_space<vmem>>) offsets(%dma_start3A_202 : memref<64xi32, #tpu.memory_space<vmem>>) semaphore(%arg12 : memref<!tpu.dma_semaphore, #tpu.memory_space<semaphore_mem>>)
        } else {
        }
      } else {
      }
      %scan3A_174 = arith.constant 0 : i32
      scf.yield %scan3A_174 : i32
    }
    %scan3A_105 = arith.constant 80 : i32
    %dma_wait3A_106 = arith.constant 0 : i32
    %dma_wait3A_107 = arith.constant 0 : i32
    %dma_wait3A_108 = tpu.memref_slice %arg6[%dma_wait3A_106, %dma_wait3A_107] : memref<80x64xi32, #tpu.memory_space<vmem>> -> memref<1x64xi32, #tpu.memory_space<vmem>>
    %dma_wait3A_109 = tpu.memref_squeeze %dma_wait3A_108 : memref<1x64xi32, #tpu.memory_space<vmem>> -> memref<64xi32, #tpu.memory_space<vmem>>
    %dma_wait3A_110 = arith.constant 0 : i32
    %dma_wait3A_111 = arith.constant 0 : i32
    %dma_wait3A_112 = tpu.memref_slice %arg10[%dma_wait3A_110, %dma_wait3A_111] : memref<10240x128xf32, #tpu.memory_space<vmem_shared>> -> memref<10240x128xf32, #tpu.memory_space<vmem_shared>>
    tpu.wait_indirect_dma semaphore(%arg15 : memref<!tpu.dma_semaphore, #tpu.memory_space<semaphore_mem>>) src(%arg8 : memref<64x128xf32, #tpu.memory_space<vmem>>) dst(%dma_wait3A_112 : memref<10240x128xf32, #tpu.memory_space<vmem_shared>>)
    %barrier3A_113 = arith.constant 0 : index
    tpu.barrier barrier_id(%barrier3A_113)
    %mul3A_114 = arith.constant 640 : i32
    %mul3A_115 = arith.muli %arg1, %mul3A_114 : i32
    %mul3A_116 = arith.constant 640 : i32
    %mul3A_117 = arith.muli %arg1, %mul3A_116 : i32
    "tpu.region"() ({
      %run_scoped3A_118 = tpu.sem_alloc : memref<!tpu.dma_semaphore, #tpu.memory_space<semaphore_mem>>
      %dma_start3A_119 = arith.constant 0 : i32
      %dma_start3A_120 = tpu.memref_slice %arg4[%arg0, %mul3A_117, %dma_start3A_119] : memref<2x10240x128xf32, #tpu.memory_space<hbm>> -> memref<1x640x128xf32, #tpu.memory_space<hbm>>
      %dma_start3A_121 = tpu.memref_squeeze %dma_start3A_120 : memref<1x640x128xf32, #tpu.memory_space<hbm>> -> memref<640x128xf32, #tpu.memory_space<hbm>>
      %dma_start3A_122 = arith.constant 0 : i32
      %dma_start3A_123 = tpu.memref_slice %arg10[%mul3A_115, %dma_start3A_122] : memref<10240x128xf32, #tpu.memory_space<vmem_shared>> -> memref<640x128xf32, #tpu.memory_space<vmem_shared>>
      tpu.enqueue_dma source(%dma_start3A_123 : memref<640x128xf32, #tpu.memory_space<vmem_shared>>) target(%dma_start3A_121 : memref<640x128xf32, #tpu.memory_space<hbm>>) target_semaphore(%run_scoped3A_118 : memref<!tpu.dma_semaphore, #tpu.memory_space<semaphore_mem>>)
      %dma_wait3A_124 = arith.constant 0 : i32
      %dma_wait3A_125 = tpu.memref_slice %arg4[%arg0, %mul3A_117, %dma_wait3A_124] : memref<2x10240x128xf32, #tpu.memory_space<hbm>> -> memref<1x640x128xf32, #tpu.memory_space<hbm>>
      %dma_wait3A_126 = tpu.memref_squeeze %dma_wait3A_125 : memref<1x640x128xf32, #tpu.memory_space<hbm>> -> memref<640x128xf32, #tpu.memory_space<hbm>>
      %dma_wait3A_127 = arith.constant 0 : i32
      %dma_wait3A_128 = tpu.memref_slice %arg10[%mul3A_115, %dma_wait3A_127] : memref<10240x128xf32, #tpu.memory_space<vmem_shared>> -> memref<640x128xf32, #tpu.memory_space<vmem_shared>>
      tpu.wait_dma2 semaphore(%run_scoped3A_118 : memref<!tpu.dma_semaphore, #tpu.memory_space<semaphore_mem>>) src(%dma_wait3A_128 : memref<640x128xf32, #tpu.memory_space<vmem_shared>>) dst(%dma_wait3A_126 : memref<640x128xf32, #tpu.memory_space<hbm>>)
      tpu.yield
    }) : () -> ()
    return
  }
}

module attributes {stable_mosaic.version = 14 : i64} {
  func.func @_combine_body(%arg0: i32, %arg1: memref<2x2000x1xf32, #tpu.memory_space<vmem>>, %arg2: memref<2x2000x128xf32, #tpu.memory_space<vmem>>, %arg3: memref<2000x128xf32, #tpu.memory_space<vmem>>, %arg4: memref<2000x128xf32, #tpu.memory_space<vmem>>) attributes {dimension_semantics = [#tpu.dimension_semantics<arbitrary>], iteration_bounds = array<i64: 5>, scalar_prefetch = 0 : i64, scratch_operands = 0 : i64, tpu.core_type = #tpu.core_type<tc>, window_params = [{transform_indices = @transform_0, window_bounds = array<i64: 2, 2000, 1>}, {transform_indices = @transform_1, window_bounds = array<i64: 2, 2000, 128>}, {transform_indices = @transform_2, window_bounds = array<i64: 2000, 128>}, {transform_indices = @transform_3, window_bounds = array<i64: 2000, 128>}]} {
    %get3A = arith.constant 0 : index
    %get3A_0 = arith.constant 0 : index
    %get3A_1 = arith.constant 0 : index
    %get3A_2 = vector.load %arg1[%get3A, %get3A_0, %get3A_1] : memref<2x2000x1xf32, #tpu.memory_space<vmem>>, vector<1x2000x1xf32>
    %get3A_3 = vector.shape_cast %get3A_2 : vector<1x2000x1xf32> to vector<2000x1xf32>
    %get3A_4 = arith.constant 1 : index
    %get3A_5 = arith.constant 0 : index
    %get3A_6 = arith.constant 0 : index
    %get3A_7 = vector.load %arg1[%get3A_4, %get3A_5, %get3A_6] : memref<2x2000x1xf32, #tpu.memory_space<vmem>>, vector<1x2000x1xf32>
    %get3A_8 = vector.shape_cast %get3A_7 : vector<1x2000x1xf32> to vector<2000x1xf32>
    %add3A = arith.addf %get3A_3, %get3A_8 : vector<2000x1xf32>
    %add3A_9 = arith.constant 1.000000e+00 : f32
    %add3A_10 = vector.broadcast %add3A_9 : f32 to vector<2000x1xf32>
    %add3A_11 = arith.addf %add3A, %add3A_10 : vector<2000x1xf32>
    %add3A_12 = arith.constant 9.99999993E-9 : f32
    %add3A_13 = vector.broadcast %add3A_12 : f32 to vector<2000x1xf32>
    %add3A_14 = arith.addf %add3A_11, %add3A_13 : vector<2000x1xf32>
    %div3A = arith.constant 1.000000e+00 : f32
    %div3A_15 = vector.broadcast %div3A : f32 to vector<2000x1xf32>
    %div3A_16 = arith.divf %div3A_15, %add3A_14 : vector<2000x1xf32>
    %mul3A = arith.mulf %add3A_11, %div3A_16 : vector<2000x1xf32>
    %add3A_17 = arith.constant 1.000000e+00 : f32
    %add3A_18 = vector.broadcast %add3A_17 : f32 to vector<2000x1xf32>
    %add3A_19 = arith.addf %mul3A, %add3A_18 : vector<2000x1xf32>
    %add3A_20 = arith.constant 9.99999993E-9 : f32
    %add3A_21 = vector.broadcast %add3A_20 : f32 to vector<2000x1xf32>
    %add3A_22 = arith.addf %add3A_19, %add3A_21 : vector<2000x1xf32>
    %rsqrt3A = math.rsqrt %add3A_22 : vector<2000x1xf32>
    %mul3A_23 = arith.mulf %rsqrt3A, %div3A_16 : vector<2000x1xf32>
    %mul3A_24 = arith.constant 0.707106769 : f32
    %mul3A_25 = vector.broadcast %mul3A_24 : f32 to vector<2000x1xf32>
    %mul3A_26 = arith.mulf %mul3A_23, %mul3A_25 : vector<2000x1xf32>
    %mul3A_27 = arith.mulf %rsqrt3A, %rsqrt3A : vector<2000x1xf32>
    %add3A_28 = arith.constant 1.000000e+00 : f32
    %add3A_29 = vector.broadcast %add3A_28 : f32 to vector<2000x1xf32>
    %add3A_30 = arith.addf %div3A_16, %add3A_29 : vector<2000x1xf32>
    %mul3A_31 = arith.mulf %mul3A_27, %add3A_30 : vector<2000x1xf32>
    %get3A_32 = arith.constant 0 : index
    %get3A_33 = arith.constant 0 : index
    %get3A_34 = arith.constant 0 : index
    %get3A_35 = vector.load %arg2[%get3A_32, %get3A_33, %get3A_34] : memref<2x2000x128xf32, #tpu.memory_space<vmem>>, vector<1x2000x128xf32>
    %get3A_36 = vector.shape_cast %get3A_35 : vector<1x2000x128xf32> to vector<2000x128xf32>
    %get3A_37 = arith.constant 1 : index
    %get3A_38 = arith.constant 0 : index
    %get3A_39 = arith.constant 0 : index
    %get3A_40 = vector.load %arg2[%get3A_37, %get3A_38, %get3A_39] : memref<2x2000x128xf32, #tpu.memory_space<vmem>>, vector<1x2000x128xf32>
    %get3A_41 = vector.shape_cast %get3A_40 : vector<1x2000x128xf32> to vector<2000x128xf32>
    %add3A_42 = arith.addf %get3A_36, %get3A_41 : vector<2000x128xf32>
    %mul3A_43 = vector.broadcast %mul3A_26 : vector<2000x1xf32> to vector<2000x128xf32>
    %mul3A_44 = arith.mulf %mul3A_43, %add3A_42 : vector<2000x128xf32>
    %get3A_45 = arith.constant 0 : index
    %get3A_46 = arith.constant 0 : index
    %get3A_47 = vector.load %arg3[%get3A_45, %get3A_46] : memref<2000x128xf32, #tpu.memory_space<vmem>>, vector<2000x128xf32>
    %mul3A_48 = vector.broadcast %mul3A_31 : vector<2000x1xf32> to vector<2000x128xf32>
    %mul3A_49 = arith.mulf %mul3A_48, %get3A_47 : vector<2000x128xf32>
    %add3A_50 = arith.addf %mul3A_44, %mul3A_49 : vector<2000x128xf32>
    %swap3A = arith.constant 0 : index
    %swap3A_51 = arith.constant 0 : index
    %swap3A_52 = vector.load %arg4[%swap3A, %swap3A_51] : memref<2000x128xf32, #tpu.memory_space<vmem>>, vector<2000x128xf32>
    tpu.vector_store %arg4[%swap3A, %swap3A_51], %add3A_50 {strides = array<i32>} : memref<2000x128xf32, #tpu.memory_space<vmem>>, vector<2000x128xf32>,
    return
  }
  func.func @transform_0(%arg0: i32) -> (i32, i32, i32) {
    %c0_i32 = arith.constant 0 : i32
    %c0_i32_0 = arith.constant 0 : i32
    %c0_i32_1 = arith.constant 0 : i32
    return %c0_i32, %arg0, %c0_i32_0 : i32, i32, i32
  }
  func.func @transform_1(%arg0: i32) -> (i32, i32, i32) {
    %c0_i32 = arith.constant 0 : i32
    %c0_i32_0 = arith.constant 0 : i32
    %c0_i32_1 = arith.constant 0 : i32
    return %c0_i32, %arg0, %c0_i32_0 : i32, i32, i32
  }
  func.func @transform_2(%arg0: i32) -> (i32, i32) {
    %c0_i32 = arith.constant 0 : i32
    %c0_i32_0 = arith.constant 0 : i32
    return %arg0, %c0_i32 : i32, i32
  }
  func.func @transform_3(%arg0: i32) -> (i32, i32) {
    %c0_i32 = arith.constant 0 : i32
    %c0_i32_0 = arith.constant 0 : i32
    return %arg0, %c0_i32 : i32, i32
  }
}

</mosaic_0001>

<sc_bundles>
// kernel: kernel.5.cloned.1.call-start
scs
__scs_entry_jumppad:
0x0: {  	(pc) =	sbr.rel $0x88, $3  }
0x1: {  	(tag) =	ssettag $0x0;
	lr =	simm.s32 $0x1  }
0x2: {  	[smem:$0x3F9F] =	sst lr;
	_ =	strace $0xD0000000  }
0x3: {  	_ = 	snop  }
0x4: {  	_ = 	snop  }
0x5: {  	_ = 	snop  }
0x6: {  	_ = 	snop  }
0x7: {  	_ = 	snop  }
__scs_overlays_trampoline_lowered:
0x8: {  	[smem:$0x3FAE] =	sst s0  }
0x9: {  	[smem:$0x3FAF] =	sst s1  }
0xa: {  	[smem:$0x3FB0] =	sst s2  }
0xb: {  	[smem:$0x3FB1] =	sst s3  }
0xc: {  	[smem:$0x3FB2] =	sst s4  }
0xd: {  	[smem:$0x3FB3] =	sst s5  }
0xe: {  	[smem:$0x3FB4] =	sst s6  }
0xf: {  	[smem:$0x3FB5] =	sst s7  }
0x10: {  	[smem:$0x3FB6] =	sst s8  }
0x11: {  	[smem:$0x3FB7] =	sst s9;
	s0 =	simm.s32 @!p0 $0x0  }
0x12: {  	s1 =	sld [smem:$0x3F9D];
	s0 =	simm.s32 @p0 $0x1  }
0x13: {  	[smem:$0x3FB8] =	sst s0;
	s0 =	simm.s32 @!p1 $0x0  }
0x14: {  	s2 =	sld [smem:$0x3F9C];
	s0 =	simm.s32 @p1 $0x1  }
0x15: {  	[smem:$0x3FB9] =	sst s0;
	s0 =	simm.s32 @!p2 $0x0  }
0x16: {  	s3 =	sld [smem:$0x3FDB];
	s0 =	simm.s32 @p2 $0x1  }
0x17: {  	s4 =	simm.s32 $0x1BF5;
	[smem:$0x3FBB] =	sst s0  }
0x18: {  	s0 =	sld [smem:$0x3F9E];
	_ =	swait.ge [sflag:s4], $0x0  }
0x19: {  	s7 =	sld [smem:$0x3F9F]  }
0x1a: {  	s8 =	sadd.s32 $0xFFFFE003, lr  }
0x1b: {  	s9 =	sadd.s32 $0xFFFFFEF7, lr;
	s5 =	simm.s32 $0xFFFFFFFF;
	p2 =	slt.u32 s8, $0xFFFFF086  }
0x1c: {  	p1 =	slt.u32 s9, $0xF7A;
	s5 =	simm.s32 @!p2 $0x0  }
0x1d: {  	s5 =	simm.s32 @p1 $0x1;
	p0 =	seq.s32 s7, s2  }
0x1e: {  	s7 =	smul.u32 @!p0 $0xF7A, s2;
	p2 =	seq.s32 @!p0 s5, $0x0  }
0x1f: {  	s9 =	smul.u32 $0xF7A, s1;
	s8 =	simm.s32 @!p0 $0x1BF5;
	p2 =	por !p2, p0  }
0x20: {  	[sflag:s8] =	ssyncset.s32 @!p0 $0xFFFFF086;
	s6 =	sadd.s32 @!p0 s3, s7;
	s7 =	simm.s32 @!p0 $0x108  }
0x21: {  	s3 =	sadd.s32 s3, s9;
	s6 =	sadd.s32 @!p0 $0x88, s6;
	s7 =	simm.s32 @p2 $0x1082  }
0x22: {  	[simem:s7], [sflag:s8] =	dma.local @!p0 [hbm:s6], $0xF7A  }
0x23: {  	s9 =	sor.u32 $0xD0000000, s2;
	s6 =	simm.s32 $0x108;
	_ =	swait.ge @!p0 [sflag:s8], $0x0  }
0x24: {  	s3 =	sadd.s32 $0x88, s3;
	s6 =	simm.s32 @!p1 $0x1082;
	[sflag:s4] =	ssyncset.s32 $0xFFFFF086  }
0x25: {  	[simem:s6], [sflag:s4] =	dma.local [hbm:s3], $0xF7A  }
0x26: {  	[smem:$0x3F9F] =	sst s1;
	(tag) =	ssettag s2;
	_ =	strace s9  }
0x27: {  	s1 =	sld [smem:$0x3FAF]  }
0x28: {  	s2 =	sld [smem:$0x3FB0]  }
0x29: {  	s4 =	sld [smem:$0x3FB2]  }
0x2a: {  	p0 =	seq.s32 s5, $0x0;
	s5 =	sld [smem:$0x3FB3]  }
0x2b: {  	s6 =	sld [smem:$0x3FB4]  }
0x2c: {  	s7 =	sld [smem:$0x3FB5]  }
0x2d: {  	s3 =	simm.s32 $0x108;
	s8 =	sld [smem:$0x3FB6]  }
0x2e: {  	s3 =	simm.s32 @!p0 $0x1082;
	s9 =	sld [smem:$0x3FB7]  }
0x2f: {  	lr =	sadd.s32 s0, s3;
	s0 =	sld [smem:$0x3FAE]  }
0x30: {  	s3 =	sld [smem:$0x3FB1]  }
0x31: {  	[smem:$0x3FBA] =	sst s10  }
0x32: {  	s10 =	sld [smem:$0x3FB8];
	_ =	sdelay $0x3  }
0x33: {  	p0 =	seq.s32 s10, $0x1;
	s10 =	sld [smem:$0x3FBA];
	_ =	sdelay $0x3  }
0x34: {  	[smem:$0x3FBA] =	sst s10  }
0x35: {  	s10 =	sld [smem:$0x3FB9];
	_ =	sdelay $0x3  }
0x36: {  	p1 =	seq.s32 s10, $0x1;
	s10 =	sld [smem:$0x3FBA];
	_ =	sdelay $0x3  }
0x37: {  	[smem:$0x3FBA] =	sst s10  }
0x38: {  	s10 =	sld [smem:$0x3FBB]  }
0x39: {  	_ = 	snop;
	(pc) =	sbr.ind lr, $3  }
0x3a: {  	_ = 	snop  }
0x3b: {  	_ = 	snop  }
0x3c: {  	p2 =	seq.s32 s10, $0x1;
	s10 =	sld [smem:$0x3FBA]  }
0x3d: {  	_ =	shalt  }
0x3e: {  	_ =	shalt  }
0x3f: {  	_ =	shalt  }
0x40: {  	_ =	shalt  }
0x41: {  	_ =	shalt  }
0x42: {  	_ =	shalt  }
0x43: {  	_ =	shalt  }
0x44: {  	_ =	shalt  }
0x45: {  	_ =	shalt  }
0x46: {  	_ =	shalt  }
0x47: {  	_ =	shalt  }
0x48: {  	_ =	shalt  }
0x49: {  	_ =	shalt  }
0x4a: {  	_ =	shalt  }
0x4b: {  	_ =	shalt  }
0x4c: {  	_ =	shalt  }
0x4d: {  	_ =	shalt  }
0x4e: {  	_ =	shalt  }
0x4f: {  	_ =	shalt  }
0x50: {  	_ =	shalt  }
0x51: {  	_ =	shalt  }
0x52: {  	_ =	shalt  }
0x53: {  	_ =	shalt  }
0x54: {  	_ =	shalt  }
0x55: {  	_ =	shalt  }
0x56: {  	_ =	shalt  }
0x57: {  	_ =	shalt  }
0x58: {  	_ =	shalt  }
0x59: {  	_ =	shalt  }
0x5a: {  	_ =	shalt  }
0x5b: {  	_ =	shalt  }
0x5c: {  	_ =	shalt  }
0x5d: {  	_ =	shalt  }
0x5e: {  	_ =	shalt  }
0x5f: {  	_ =	shalt  }
0x60: {  	_ =	shalt  }
0x61: {  	_ =	shalt  }
0x62: {  	_ =	shalt  }
0x63: {  	_ =	shalt  }
0x64: {  	_ =	shalt  }
0x65: {  	_ =	shalt  }
0x66: {  	_ =	shalt  }
0x67: {  	_ =	shalt  }
0x68: {  	_ =	shalt  }
0x69: {  	_ =	shalt  }
0x6a: {  	_ =	shalt  }
0x6b: {  	_ =	shalt  }
0x6c: {  	_ =	shalt  }
0x6d: {  	_ =	shalt  }
0x6e: {  	_ =	shalt  }
0x6f: {  	_ =	shalt  }
0x70: {  	_ =	shalt  }
0x71: {  	_ =	shalt  }
0x72: {  	_ =	shalt  }
0x73: {  	_ =	shalt  }
0x74: {  	_ =	shalt  }
0x75: {  	_ =	shalt  }
0x76: {  	_ =	shalt  }
0x77: {  	_ =	shalt  }
0x78: {  	_ =	shalt  }
0x79: {  	_ =	shalt  }
0x7a: {  	_ =	shalt  }
0x7b: {  	_ =	shalt  }
0x7c: {  	_ =	shalt  }
0x7d: {  	_ =	shalt  }
0x7e: {  	_ =	shalt  }
0x7f: {  	_ =	shalt  }
0x80: {  	_ =	shalt  }
0x81: {  	_ =	shalt  }
0x82: {  	_ =	shalt  }
0x83: {  	_ =	shalt  }
0x84: {  	_ =	shalt  }
0x85: {  	_ =	shalt  }
0x86: {  	_ =	shalt  }
0x87: {  	_ =	shalt  }
.Lfunc_end0:
.L_simem_size_0:
called_computation_lowered:
.L_overlay_start_0:
0x88: {  	s2 =	sld [smem:$0x3FD9]  }
0x89: {  	s3 =	sld [smem:$0x3FFE];
	_ =	sdelay $0x1  }
0x8a: {  	s1 =	srdreg.scid  }
0x8b: {  	s0 =	sand.u32 $0x1, s1  }
0x8c: {  	s17 =	sshll.u32 s0, $0xA;
	s2 =	sadd.s32 s3, s2  }
0x8d: {  	s2 =	sadd.s32 s2, s17  }
0x8e: {  	[smem:$0x3FC6] =	sst s2  }
0x8f: {  	_ = 	snop  }
0x90: {  	s2 =	sld [smem:$0x3FD0];
	(tm) =	ssettm $0x1  }
0x91: {  	s18 =	sld [smem:$0x3FFB];
	_ =	sdelay $0x3  }
0x92: {  	_ =	strace s18  }
0x93: {  	s3 =	sld [smem:$0x3FFC];
	_ =	sdelay $0x3  }
0x94: {  	_ =	strace s3  }
0x95: {  	s3 =	sld [smem:$0x3FFD];
	_ =	sdelay $0x3  }
0x96: {  	_ =	strace s3  }
0x97: {  	_ =	strace $0x8FFFFFFF  }
0x98: {  	s19 =	sld [smem:$0x3FDB];
	_ =	sdelay $0x1  }
0x99: {  	s4 =	simm.s32 $_scs_section_size  }
0x9a: {  	s5 =	simm.s32 $_size__tile_overlayer_lowered;
	s6 =	simm.s32 $_tile_overlayer_lowered  }
0x9b: {  	s22 =	simm.s32 $0x1BFF;
	s21 =	sshll.u32 s6, $0x1;
	s3 =	sadd.s32 s4, s19  }
0x9c: {  	s7 =	simm.s32 $0x0;
	s20 =	sshll.u32 s5, $0x1;
	s5 =	sadd.s32 s21, s3  }
0x9d: {  	[timem:s7], [sflag:s22] =	dma.local [hbm:s5], s20  }
0x9e: {  	_ =	swait.ge [sflag:s22], s20  }
0x9f: {  	s4 =	ssub.s32 $0x0, s20;
	[sflag:s22] =	ssyncset.done $0x0  }
0xa0: {  	[sflag:s22] =	ssyncadd.s32 s4;
	_ =	sdelay $0x1  }
0xa1: {  	s23 =	simm.s32 $0x1B8B  }
0xa2: {  	_ =	swait.ge [sflag:s23], $0x1  }
0xa3: {  	[sflag:s23] =	ssyncset.done $0x0  }
0xa4: {  	s25 =	simm.s32 $0x1B8E;
	s24 =	sld [smem:$0x3FFE];
	[sflag:s23] =	ssyncadd.s32 $0xFFFFFFFF  }
0xa5: {  	s26 =	simm.s32 $execute0_lowered;
	[smem:$0x3FD2] =	sst s25  }
0xa6: {  	s5 =	sshll.u32 s26, $0x1;
	_ =	strace $0x80000046;
	[dreg:$0x1] =	wrdreg $0xFFFFFFFF  }
0xa7: {  	s28 =	simm.s32 $_size_execute0_lowered;
	s3 =	sadd.s32 s3, s5;
	[dreg:$0x0] =	wrdreg $0x0  }
0xa8: {  	s5 =	sshll.u32 s28, $0x1;
	[dreg:$0x2] =	wrdreg s3  }
0xa9: {  	[dreg:$0x3] =	wrdreg s5  }
0xaa: {  	[dreg:$0x4] =	wrdreg $0xC0  }
0xab: {  	_ =	task [dreg:s7], $0x5FFFF  }
0xac: {  	[dreg:$0x1] =	wrdreg $0xFFFFFFFF  }
0xad: {  	[dreg:$0x0] =	wrdreg $0x60  }
0xae: {  	[dreg:$0x2] =	wrdreg s2  }
0xaf: {  	[dreg:$0x3] =	wrdreg s24  }
0xb0: {  	[dreg:$0x4] =	wrdreg $0x2B000  }
0xb1: {  	[dreg:$0x5] =	wrdreg $0x9  }
0xb2: {  	_ =	task.clear_ibuf [dreg:s7], $0x6FFFF;
	_ =	strace $0x90000046  }
0xb3: {  	s29 =	simm.s32 $0x9;
	_ =	strace $0x80000048  }
0xb4: {  	_ =	swait.ge [sflag:s29], $0x1  }
0xb5: {  	[sflag:s29] =	ssyncadd.s32 $0xFFFFFFFF  }
0xb6: {  	_ =	strace $0x90000048  }
0xb7: {  	_ =	sfence  }
0xb8: {  	s30 =	sld [smem:$0x0];
	_ =	sdelay $0x2  }
0xb9: {  	s31 =	sshll.u32 s1, $0xD;
	s1 =	sshrl.u32 s1, $0x2  }
0xba: {  	s3 =	sand.u32 $0x4000, s31;
	s1 =	sadd.s32 s1, s30  }
0xbb: {  	s0 =	sor.u32 s3, s0;
	s1 =	sshll.u32 s1, $0x11  }
0xbc: {  	s0 =	sor.u32 s1, s0  }
0xbd: {  	s0 =	sadd.s32 $0x8F2B, s0  }
0xbe: {  	[sflag:s0] =	ssyncadd.remote.s32 $0x1  }
0xbf: {  	_ =	sfence.sel $0xFFFF  }
0xc0: {  	[dreg:$0x0] =	wrdreg $0xFFFFFFFF;
	(pc) =	sbr.abs _section_cstart, $3  }
0xc1: {  	[dreg:$0x1] =	wrdreg $0xFFFFFFFF  }
0xc2: {  	_ =	task.clear_ibuf [dreg:s7], $0x2FFFF;
	_ =	strace $0x9FFFFFFF  }
0xc3: {  	(tm) =	ssettm $0x7FFFFFFF  }
tec
execute0_lowered:
.L_overlay_start_1:
0x0: {  	(tag) =	ssettag $0x1  }
0x1: {  	s5 =	rddreg [dreg:$0x0]  }
0x2: {  	s4 =	rddreg [dreg:$0x1]  }
0x3: {  	s2 =	rddreg [dreg:$0x2]  }
0x4: {  	s0 =	rddreg [dreg:$0x3];
	s6 =	srdreg.scid  }
0x5: {  	s1 =	stileid.u32;
	s3 =	simm.s32 $0x0;
	s11 =	simm.s32 $0x2800  }
0x6: {  	s12 =	simm.s32 $0x1;
	s15 =	simm.s32 $0x20;
	s16 =	simm.s32 $0x10  }
0x7: {  	s17 =	simm.s32 $0x0;
	s6 =	sand.u32 $0x1, s6;
	s7 =	smul.u32 $0x500, s1  }
0x8: {  	[smem:$0x7FF] =	sst s3;
	s9 =	smul.u32 $0xA00, s1;
	s13 =	sshll.u32 s1, $0x6  }
0x9: {  	s8 =	sshll.u32 s6, $0x7;
	_ =	strace $0x80000047;
	s30 =	sshll.u32 s6, $0x4  }
0xa: {  	s6 =	ssub.s32 $0x2, s6;
	s13 =	sor.u32 $0x1C02, s13;
	s7 =	sor.u32 s8, s7  }
0xb: {  	s8 =	sor.u32 s1, s30;
	s10 =	sshrl.u32 s6, $0x1;
	s31 =	sshrl.u32 s9, $0x2  }
0xc: {  	s9 =	simm.s32 $0x2;
	s7 =	sshrl.u32 s7, $0x3;
	s8 =	smul.u32 $0x500, s8  }
0xd: {  	s10 =	ssub.s32 s6, s10;
	s7 =	sadd.s32 s7, s4;
	s4 =	sadd.s32 s31, s2  }
0xe: {  	s5 =	sadd.s32 s5, s8;
	s6 =	sadd.s32 $0x1200, s7;
	s7 =	smax.u32 s10, $0x1  }
0xf: {  	v0 =	vimm.f32 $1.000000000e+00;
	v1 =	vimm.f32 $0.0e+00;
	s8 =	simm.s32 $0x2880;
	s10 =	simm.s32 $0x80;
	s14 =	sshrl.u32 s4, $0x3  }
.LBB2_1:
0x10: {  	[tilespmem:$0x2800] =	vst v0  }
0x11: {  	[tilespmem:$0x2810] =	vst v0  }
0x12: {  	[tilespmem:$0x2820] =	vst v0  }
0x13: {  	[tilespmem:$0x2830] =	vst v0  }
0x14: {  	[tilespmem:$0x2840] =	vst v0  }
0x15: {  	[tilespmem:$0x2850] =	vst v0  }
0x16: {  	[tilespmem:$0x2860] =	vst v0  }
0x17: {  	[tilespmem:$0x2870] =	vst v0  }
0x18: {  	[tilespmem:$0x2880] =	vst v1  }
0x19: {  	[tilespmem:$0x2890] =	vst v1  }
0x1a: {  	[tilespmem:$0x28A0] =	vst v1  }
0x1b: {  	[tilespmem:$0x28B0] =	vst v1  }
0x1c: {  	[tilespmem:$0x28C0] =	vst v1  }
0x1d: {  	[tilespmem:$0x28D0] =	vst v1  }
0x1e: {  	[tilespmem:$0x28E0] =	vst v1  }
0x1f: {  	[tilespmem:$0x28F0] =	vst v1  }
0x20: {  	[tilespmem:$0x2900] =	vst v1  }
0x21: {  	[tilespmem:$0x2910] =	vst v1  }
0x22: {  	[tilespmem:$0x2920] =	vst v1  }
0x23: {  	[tilespmem:$0x2930] =	vst v1  }
0x24: {  	[tilespmem:$0x2940] =	vst v1  }
0x25: {  	[tilespmem:$0x2950] =	vst v1  }
0x26: {  	[tilespmem:$0x2960] =	vst v1  }
0x27: {  	[tilespmem:$0x2970] =	vst v1  }
0x28: {  	[tilespmem:$0x2980] =	vst v1  }
0x29: {  	[tilespmem:$0x2990] =	vst v1  }
0x2a: {  	[tilespmem:$0x29A0] =	vst v1  }
0x2b: {  	[tilespmem:$0x29B0] =	vst v1  }
0x2c: {  	[tilespmem:$0x29C0] =	vst v1  }
0x2d: {  	[tilespmem:$0x29D0] =	vst v1  }
0x2e: {  	[tilespmem:$0x29E0] =	vst v1  }
0x2f: {  	[tilespmem:$0x29F0] =	vst v1  }
0x30: {  	[tilespmem:$0x2A00] =	vst v1  }
0x31: {  	[tilespmem:$0x2A10] =	vst v1  }
0x32: {  	[tilespmem:$0x2A20] =	vst v1  }
0x33: {  	[tilespmem:$0x2A30] =	vst v1  }
0x34: {  	[tilespmem:$0x2A40] =	vst v1  }
0x35: {  	[tilespmem:$0x2A50] =	vst v1  }
0x36: {  	[tilespmem:$0x2A60] =	vst v1  }
0x37: {  	[tilespmem:$0x2A70] =	vst v1  }
0x38: {  	[tilespmem:$0x2A80] =	vst v1  }
0x39: {  	[tilespmem:$0x2A90] =	vst v1  }
0x3a: {  	[tilespmem:$0x2AA0] =	vst v1  }
0x3b: {  	[tilespmem:$0x2AB0] =	vst v1  }
0x3c: {  	[tilespmem:$0x2AC0] =	vst v1  }
0x3d: {  	[tilespmem:$0x2AD0] =	vst v1  }
0x3e: {  	[tilespmem:$0x2AE0] =	vst v1  }
0x3f: {  	[tilespmem:$0x2AF0] =	vst v1  }
0x40: {  	[spmem:s4] =	stream.linear.scatter [tilespmem:s8], [sflag:$0x2], $0x280, $0x38;
	[tilespmem:$0x2D80] =	vst v63  }
0x41: {  	_ =	swait.ge [sflag:s9], $0x280  }
0x42: {  	[sflag:s9] =	ssyncset.done $0x0  }
0x43: {  	[sflag:s9] =	ssyncadd.s32 $0xFFFFFD80  }
0x44: {  	[tilespmem:s3], [sflag:$0x2] =	stream.linear.gather [hbm4b:s5+s3], $0x2800, $0x38;
	[tilespmem:$0x2D80] =	vst v63  }
0x45: {  	_ =	swait.ge [sflag:s9], $0x2800  }
0x46: {  	[sflag:s9] =	ssyncset.done $0x0  }
0x47: {  	[sflag:s9] =	ssyncadd.s32 $0xFFFFD800  }
0x48: {  	s18 =	simm.s32 $0x0;
	[bflag:$0x0] =	sbarrier.arrive $0xFFFF  }
.LBB2_2:
0x49: {  	p0 =	sne.s32 s18, $0x9E00  }
.Ltmp0:
0x4a: {  	_ = 	snop;
	(pc) =	sbr.rel @p0 .LBB2_2-.Ltmp0, $3  }
0x4b: {  	_ =	sdelay $0x1  }
0x4c: {  	s19 =	sshra.s32 s18, $0x2;
	s18 =	sadd.s32 $0x200, s18  }
0x4d: {  	[spmem:s2] =	stream.indirect.scatter.add.f32 [tilespmem:s11], [sflag:$0x1], $0x1, s19, s10, $0xb8;
	[tilespmem:$0x2D80] =	vst v63  }
0x4e: {  	_ =	swait.ge [sflag:s12], $0x80  }
0x4f: {  	s18 =	simm.s32 $0x4F;
	[sflag:s12] =	ssyncset.done $0x0  }
.LBB2_4:
0x50: {  	p0 =	sne.s32 s18, $0x1;
	s18 =	sadd.s32 $0xFFFFFFFF, s18;
	[sflag:s12] =	ssyncadd.s32 $0xFFFFFF80  }
.Ltmp1:
0x51: {  	(pc) =	sbr.rel @p0 .LBB2_4-.Ltmp1, $3  }
0x52: {  	_ =	sdelay $0x1  }
0x53: {  	_ =	swait.ge [sflag:s12], $0x80  }
0x54: {  	[sflag:s12] =	ssyncset.done $0x0  }
0x55: {  	s17 =	sadd.s32 $0x1, s17  }
0x56: {  	[sflag:s12] =	ssyncadd.s32 $0xFFFFFF80;
	p0 =	sne.s32 s17, s7  }
.Ltmp2:
0x57: {  	[bflag:$0x0] =	sbarrier.arrive $0xFFFF;
	(pc) =	sbr.rel @p0 .LBB2_1-.Ltmp2, $4  }
0x58: {  	[hbm:s6@s15], [sflag:s13] =	dma.strided [spmem:s14@s16], $0x50, s12, $0x10   }
0x59: {  	_ =	swait.ge [sflag:s9], $0x50  }
0x5a: {  	[sflag:s9] =	ssyncset.done $0x0  }
0x5b: {  	[sflag:s9] =	ssyncadd.s32 $0xFFFFFFB0  }
0x5c: {  	_ =	sfence.sel $0x180000  }
0x5d: {  	[bflag:$0x0] =	sbarrier.arrive $0xFFFF  }
0x5e: {  	p0 =	sne.s32 s1, $0x0;
	_ =	strace $0x90000047  }
0x5f: {  	s0 =	sadd.s32 @!p0 $0x100000, s0;
	[bflag:$0x2] =	sbarrier.arrive $0xFFFF  }
0x60: {  	[sflag:s0] =	ssyncadd.tile.s32 @!p0 $0x1;
	_ =	shalt  }
.Lfunc_end2:
_tile_overlayer_lowered:
.L_overlay_start_2:
0x61: {  	(tag) =	ssettag $0x2  }
0x62: {  	s0 =	rddreg [dreg:$0x0];
	s2 =	stileid.u32  }
0x63: {  	s1 =	rddreg [dreg:$0x1];
	p0 =	sne.s32 s2, $0x0  }
0x64: {  	s3 =	rddreg [dreg:$0x2];
	[bflag:$0x3] =	sbarrier.arrive $0xFFFF;
	s2 =	simm.s32 @!p0 $0x1C02  }
0x65: {  	[timem:s3], [sflag:s2] =	dma.local @!p0 [hbm:s0], s1  }
0x66: {  	s0 =	simm.s32 @!p0 $0x2  }
0x67: {  	_ =	swait.ge @!p0 [sflag:s0], s1  }
0x68: {  	s1 =	ssub.s32 @!p0 $0x0, s1;
	[sflag:s0] =	ssyncset.done @!p0 $0x0  }
0x69: {  	[sflag:s0] =	ssyncadd.s32 @!p0 s1  }
0x6a: {  	[bflag:$0x3] =	sbarrier.arrive $0xFFFF  }
0x6b: {  	_ =	shalt  }

// kernel: kernel.8.cloned.1.call-start
scs
__scs_entry_jumppad:
0x0: {  	(pc) =	sbr.rel $0x88, $3  }
0x1: {  	(tag) =	ssettag $0x0;
	lr =	simm.s32 $0x1  }
0x2: {  	[smem:$0x3F9F] =	sst lr;
	_ =	strace $0xD0000000  }
0x3: {  	_ = 	snop  }
0x4: {  	_ = 	snop  }
0x5: {  	_ = 	snop  }
0x6: {  	_ = 	snop  }
0x7: {  	_ = 	snop  }
__scs_overlays_trampoline_lowered:
0x8: {  	[smem:$0x3FAE] =	sst s0  }
0x9: {  	[smem:$0x3FAF] =	sst s1  }
0xa: {  	[smem:$0x3FB0] =	sst s2  }
0xb: {  	[smem:$0x3FB1] =	sst s3  }
0xc: {  	[smem:$0x3FB2] =	sst s4  }
0xd: {  	[smem:$0x3FB3] =	sst s5  }
0xe: {  	[smem:$0x3FB4] =	sst s6  }
0xf: {  	[smem:$0x3FB5] =	sst s7  }
0x10: {  	[smem:$0x3FB6] =	sst s8  }
0x11: {  	[smem:$0x3FB7] =	sst s9;
	s0 =	simm.s32 @!p0 $0x0  }
0x12: {  	s1 =	sld [smem:$0x3F9D];
	s0 =	simm.s32 @p0 $0x1  }
0x13: {  	[smem:$0x3FB8] =	sst s0;
	s0 =	simm.s32 @!p1 $0x0  }
0x14: {  	s2 =	sld [smem:$0x3F9C];
	s0 =	simm.s32 @p1 $0x1  }
0x15: {  	[smem:$0x3FB9] =	sst s0;
	s0 =	simm.s32 @!p2 $0x0  }
0x16: {  	s3 =	sld [smem:$0x3FDB];
	s0 =	simm.s32 @p2 $0x1  }
0x17: {  	s4 =	simm.s32 $0x1BF5;
	[smem:$0x3FBB] =	sst s0  }
0x18: {  	s0 =	sld [smem:$0x3F9E];
	_ =	swait.ge [sflag:s4], $0x0  }
0x19: {  	s7 =	sld [smem:$0x3F9F]  }
0x1a: {  	s8 =	sadd.s32 $0xFFFFE003, lr  }
0x1b: {  	s9 =	sadd.s32 $0xFFFFFEF7, lr;
	s5 =	simm.s32 $0xFFFFFFFF;
	p2 =	slt.u32 s8, $0xFFFFF086  }
0x1c: {  	p1 =	slt.u32 s9, $0xF7A;
	s5 =	simm.s32 @!p2 $0x0  }
0x1d: {  	s5 =	simm.s32 @p1 $0x1;
	p0 =	seq.s32 s7, s2  }
0x1e: {  	s7 =	smul.u32 @!p0 $0xF7A, s2;
	p2 =	seq.s32 @!p0 s5, $0x0  }
0x1f: {  	s9 =	smul.u32 $0xF7A, s1;
	s8 =	simm.s32 @!p0 $0x1BF5;
	p2 =	por !p2, p0  }
0x20: {  	[sflag:s8] =	ssyncset.s32 @!p0 $0xFFFFF086;
	s6 =	sadd.s32 @!p0 s3, s7;
	s7 =	simm.s32 @!p0 $0x108  }
0x21: {  	s3 =	sadd.s32 s3, s9;
	s6 =	sadd.s32 @!p0 $0x88, s6;
	s7 =	simm.s32 @p2 $0x1082  }
0x22: {  	[simem:s7], [sflag:s8] =	dma.local @!p0 [hbm:s6], $0xF7A  }
0x23: {  	s9 =	sor.u32 $0xD0000000, s2;
	s6 =	simm.s32 $0x108;
	_ =	swait.ge @!p0 [sflag:s8], $0x0  }
0x24: {  	s3 =	sadd.s32 $0x88, s3;
	s6 =	simm.s32 @!p1 $0x1082;
	[sflag:s4] =	ssyncset.s32 $0xFFFFF086  }
0x25: {  	[simem:s6], [sflag:s4] =	dma.local [hbm:s3], $0xF7A  }
0x26: {  	[smem:$0x3F9F] =	sst s1;
	(tag) =	ssettag s2;
	_ =	strace s9  }
0x27: {  	s1 =	sld [smem:$0x3FAF]  }
0x28: {  	s2 =	sld [smem:$0x3FB0]  }
0x29: {  	s4 =	sld [smem:$0x3FB2]  }
0x2a: {  	p0 =	seq.s32 s5, $0x0;
	s5 =	sld [smem:$0x3FB3]  }
0x2b: {  	s6 =	sld [smem:$0x3FB4]  }
0x2c: {  	s7 =	sld [smem:$0x3FB5]  }
0x2d: {  	s3 =	simm.s32 $0x108;
	s8 =	sld [smem:$0x3FB6]  }
0x2e: {  	s3 =	simm.s32 @!p0 $0x1082;
	s9 =	sld [smem:$0x3FB7]  }
0x2f: {  	lr =	sadd.s32 s0, s3;
	s0 =	sld [smem:$0x3FAE]  }
0x30: {  	s3 =	sld [smem:$0x3FB1]  }
0x31: {  	[smem:$0x3FBA] =	sst s10  }
0x32: {  	s10 =	sld [smem:$0x3FB8];
	_ =	sdelay $0x3  }
0x33: {  	p0 =	seq.s32 s10, $0x1;
	s10 =	sld [smem:$0x3FBA];
	_ =	sdelay $0x3  }
0x34: {  	[smem:$0x3FBA] =	sst s10  }
0x35: {  	s10 =	sld [smem:$0x3FB9];
	_ =	sdelay $0x3  }
0x36: {  	p1 =	seq.s32 s10, $0x1;
	s10 =	sld [smem:$0x3FBA];
	_ =	sdelay $0x3  }
0x37: {  	[smem:$0x3FBA] =	sst s10  }
0x38: {  	s10 =	sld [smem:$0x3FBB]  }
0x39: {  	_ = 	snop;
	(pc) =	sbr.ind lr, $3  }
0x3a: {  	_ = 	snop  }
0x3b: {  	_ = 	snop  }
0x3c: {  	p2 =	seq.s32 s10, $0x1;
	s10 =	sld [smem:$0x3FBA]  }
0x3d: {  	_ =	shalt  }
0x3e: {  	_ =	shalt  }
0x3f: {  	_ =	shalt  }
0x40: {  	_ =	shalt  }
0x41: {  	_ =	shalt  }
0x42: {  	_ =	shalt  }
0x43: {  	_ =	shalt  }
0x44: {  	_ =	shalt  }
0x45: {  	_ =	shalt  }
0x46: {  	_ =	shalt  }
0x47: {  	_ =	shalt  }
0x48: {  	_ =	shalt  }
0x49: {  	_ =	shalt  }
0x4a: {  	_ =	shalt  }
0x4b: {  	_ =	shalt  }
0x4c: {  	_ =	shalt  }
0x4d: {  	_ =	shalt  }
0x4e: {  	_ =	shalt  }
0x4f: {  	_ =	shalt  }
0x50: {  	_ =	shalt  }
0x51: {  	_ =	shalt  }
0x52: {  	_ =	shalt  }
0x53: {  	_ =	shalt  }
0x54: {  	_ =	shalt  }
0x55: {  	_ =	shalt  }
0x56: {  	_ =	shalt  }
0x57: {  	_ =	shalt  }
0x58: {  	_ =	shalt  }
0x59: {  	_ =	shalt  }
0x5a: {  	_ =	shalt  }
0x5b: {  	_ =	shalt  }
0x5c: {  	_ =	shalt  }
0x5d: {  	_ =	shalt  }
0x5e: {  	_ =	shalt  }
0x5f: {  	_ =	shalt  }
0x60: {  	_ =	shalt  }
0x61: {  	_ =	shalt  }
0x62: {  	_ =	shalt  }
0x63: {  	_ =	shalt  }
0x64: {  	_ =	shalt  }
0x65: {  	_ =	shalt  }
0x66: {  	_ =	shalt  }
0x67: {  	_ =	shalt  }
0x68: {  	_ =	shalt  }
0x69: {  	_ =	shalt  }
0x6a: {  	_ =	shalt  }
0x6b: {  	_ =	shalt  }
0x6c: {  	_ =	shalt  }
0x6d: {  	_ =	shalt  }
0x6e: {  	_ =	shalt  }
0x6f: {  	_ =	shalt  }
0x70: {  	_ =	shalt  }
0x71: {  	_ =	shalt  }
0x72: {  	_ =	shalt  }
0x73: {  	_ =	shalt  }
0x74: {  	_ =	shalt  }
0x75: {  	_ =	shalt  }
0x76: {  	_ =	shalt  }
0x77: {  	_ =	shalt  }
0x78: {  	_ =	shalt  }
0x79: {  	_ =	shalt  }
0x7a: {  	_ =	shalt  }
0x7b: {  	_ =	shalt  }
0x7c: {  	_ =	shalt  }
0x7d: {  	_ =	shalt  }
0x7e: {  	_ =	shalt  }
0x7f: {  	_ =	shalt  }
0x80: {  	_ =	shalt  }
0x81: {  	_ =	shalt  }
0x82: {  	_ =	shalt  }
0x83: {  	_ =	shalt  }
0x84: {  	_ =	shalt  }
0x85: {  	_ =	shalt  }
0x86: {  	_ =	shalt  }
0x87: {  	_ =	shalt  }
.Lfunc_end0:
.L_simem_size_0:
called_computation.1_lowered:
.L_overlay_start_0:
0x88: {  	s2 =	sld [smem:$0x3FD9]  }
0x89: {  	s3 =	sld [smem:$0x3FFE];
	_ =	sdelay $0x1  }
0x8a: {  	s1 =	srdreg.scid  }
0x8b: {  	s0 =	sand.u32 $0x1, s1  }
0x8c: {  	s17 =	sshll.u32 s0, $0xA;
	s2 =	sadd.s32 s3, s2  }
0x8d: {  	s2 =	sadd.s32 s2, s17  }
0x8e: {  	[smem:$0x3FC6] =	sst s2  }
0x8f: {  	_ = 	snop  }
0x90: {  	s18 =	sld [smem:$0x3FC9];
	(tm) =	ssettm $0x1  }
0x91: {  	s19 =	sld [smem:$0x3FFB];
	_ =	sdelay $0x3  }
0x92: {  	_ =	strace s19  }
0x93: {  	s2 =	sld [smem:$0x3FFC];
	_ =	sdelay $0x3  }
0x94: {  	_ =	strace s2  }
0x95: {  	s2 =	sld [smem:$0x3FFD];
	_ =	sdelay $0x3  }
0x96: {  	_ =	strace s2  }
0x97: {  	_ =	strace $0x8FFFFFFF  }
0x98: {  	s20 =	sld [smem:$0x3FDB];
	_ =	sdelay $0x1  }
0x99: {  	s4 =	simm.s32 $_scs_section_size  }
0x9a: {  	s5 =	simm.s32 $_size__tile_overlayer_lowered;
	s6 =	simm.s32 $_tile_overlayer_lowered  }
0x9b: {  	s7 =	simm.s32 $0x1BFF;
	s21 =	sshll.u32 s6, $0x1;
	s4 =	sadd.s32 s4, s20  }
0x9c: {  	s22 =	simm.s32 $0x0;
	s5 =	sshll.u32 s5, $0x1;
	s6 =	sadd.s32 s21, s4  }
0x9d: {  	[timem:s22], [sflag:s7] =	dma.local [hbm:s6], s5  }
0x9e: {  	_ =	swait.ge [sflag:s7], s5  }
0x9f: {  	s5 =	ssub.s32 $0x0, s5;
	[sflag:s7] =	ssyncset.done $0x0  }
0xa0: {  	[sflag:s7] =	ssyncadd.s32 s5;
	_ =	sdelay $0x1  }
0xa1: {  	s23 =	simm.s32 $0x1B8B  }
0xa2: {  	_ =	swait.ge [sflag:s23], $0x1  }
0xa3: {  	[sflag:s23] =	ssyncset.done $0x0  }
0xa4: {  	[sflag:s23] =	ssyncadd.s32 $0xFFFFFFFF  }
0xa5: {  	s5 =	sld [smem:$0x0]  }
0xa6: {  	s6 =	sand.u32 $0xFFFFFFFE, s1  }
0xa7: {  	p0 =	sne.s32 s1, s6  }
0xa8: {  	s6 =	sshll.u32 @p0 s6, $0xE  }
0xa9: {  	s6 =	sadd.s32 @p0 $0x11B8D, s6;
	s7 =	sshll.u32 @p0 s5, $0x11  }
0xaa: {  	s6 =	sor.u32 @p0 s7, s6  }
0xab: {  	[sflag:s6] =	ssyncadd.remote.s32 @p0 $0x1;
	_ =	sdelay $0x1  }
0xac: {  	s6 =	simm.s32 @p0 $0x1B8D  }
0xad: {  	_ =	swait.eq @p0 [sflag:s6], $0x1  }
0xae: {  	[sflag:s6] =	ssyncadd.s32 @p0 $0xFFFFFFFF  }
0xaf: {  	s7 =	sshll.u32 @!p0 s1, $0xE  }
0xb0: {  	s7 =	sor.u32 @!p0 $0x4000, s7;
	s6 =	simm.s32 @!p0 $0x1B8D  }
0xb1: {  	s5 =	sshll.u32 @!p0 s5, $0x11;
	s7 =	sadd.s32 @!p0 $0x11B8D, s7;
	_ =	swait.eq @!p0 [sflag:s6], $0x1  }
0xb2: {  	s5 =	sor.u32 @!p0 s5, s7;
	[sflag:s6] =	ssyncadd.s32 @!p0 $0xFFFFFFFF  }
0xb3: {  	s25 =	simm.s32 $0x1B8E;
	s24 =	sld [smem:$0x3FFE];
	[sflag:s5] =	ssyncadd.remote.s32 @!p0 $0x1  }
0xb4: {  	s26 =	simm.s32 $execute0_lowered;
	[smem:$0x3FD2] =	sst s25  }
0xb5: {  	s6 =	sshll.u32 s26, $0x1;
	_ =	strace $0x80000049;
	[dreg:$0x1] =	wrdreg $0xFFFFFFFF  }
0xb6: {  	s28 =	simm.s32 $_size_execute0_lowered;
	s4 =	sadd.s32 s4, s6;
	[dreg:$0x0] =	wrdreg $0x0  }
0xb7: {  	s6 =	sshll.u32 s28, $0x1;
	[dreg:$0x2] =	wrdreg s4  }
0xb8: {  	[dreg:$0x3] =	wrdreg s6  }
0xb9: {  	[dreg:$0x4] =	wrdreg $0xC0  }
0xba: {  	_ =	task [dreg:s22], $0x5FFFF  }
0xbb: {  	[dreg:$0x1] =	wrdreg $0xFFFFFFFF  }
0xbc: {  	[dreg:$0x0] =	wrdreg $0x60  }
0xbd: {  	[dreg:$0x2] =	wrdreg s18  }
0xbe: {  	[dreg:$0x3] =	wrdreg s24  }
0xbf: {  	[dreg:$0x4] =	wrdreg $0xB0000  }
0xc0: {  	[dreg:$0x5] =	wrdreg $0xA  }
0xc1: {  	_ =	task.clear_ibuf [dreg:s22], $0x6FFFF;
	_ =	strace $0x90000049  }
0xc2: {  	s29 =	simm.s32 $0xA;
	_ =	strace $0x8000004B  }
0xc3: {  	_ =	swait.ge [sflag:s29], $0x1  }
0xc4: {  	[sflag:s29] =	ssyncadd.s32 $0xFFFFFFFF  }
0xc5: {  	_ =	strace $0x9000004B  }
0xc6: {  	_ =	sfence  }
0xc7: {  	s30 =	sld [smem:$0x0];
	_ =	sdelay $0x2  }
0xc8: {  	s31 =	sshll.u32 s1, $0xD;
	s1 =	sshrl.u32 s1, $0x2  }
0xc9: {  	s4 =	sand.u32 $0x4000, s31;
	s1 =	sadd.s32 s1, s30  }
0xca: {  	s0 =	sor.u32 s4, s0;
	s1 =	sshll.u32 s1, $0x11  }
0xcb: {  	s0 =	sor.u32 s1, s0  }
0xcc: {  	s0 =	sadd.s32 $0x8F2B, s0  }
0xcd: {  	[sflag:s0] =	ssyncadd.remote.s32 $0x1  }
0xce: {  	_ =	sfence.sel $0xFFFF  }
0xcf: {  	[dreg:$0x0] =	wrdreg $0xFFFFFFFF;
	(pc) =	sbr.abs _section_cstart, $3  }
0xd0: {  	[dreg:$0x1] =	wrdreg $0xFFFFFFFF  }
0xd1: {  	_ =	task.clear_ibuf [dreg:s22], $0x2FFFF;
	_ =	strace $0x9FFFFFFF  }
0xd2: {  	(tm) =	ssettm $0x7FFFFFFF  }
0xd3: {  	_ =	shalt  }
tec
execute0_lowered:
.L_overlay_start_1:
0x0: {  	(tag) =	ssettag $0x1  }
0x1: {  	s1 =	rddreg [dreg:$0x0]  }
0x2: {  	s0 =	srdreg.scid;
	s4 =	rddreg [dreg:$0x1]  }
0x3: {  	s7 =	stileid.u32;
	s3 =	rddreg [dreg:$0x2];
	s6 =	simm.s32 $0x0  }
0x4: {  	s28 =	simm.s32 $0x9000;
	s29 =	simm.s32 $0x5;
	s30 =	simm.s32 $0x2  }
0x5: {  	s31 =	simm.s32 $0x4;
	s0 =	sand.u32 $0x1, s0;
	s21 =	smul.u32 $0x14000, s7  }
0x6: {  	[smem:$0x7FF] =	sst s6;
	s2 =	sshll.u32 s0, $0x4;
	s5 =	smul.u32 $0x140000, s0  }
0x7: {  	s0 =	ssub.s32 $0x2, s0;
	s2 =	sor.u32 s7, s2;
	s7 =	smul.u32 $0x50000, s7  }
0x8: {  	_ =	strace $0x8000004A;
	s22 =	sshrl.u32 s0, $0x1;
	s2 =	smul.u32 $0x5000, s2  }
0x9: {  	s5 =	sadd.s32 s21, s5;
	s0 =	ssub.s32 s0, s22;
	s21 =	simm.s32 $0x5000  }
0xa: {  	s22 =	simm.s32 $0x7;
	s5 =	sshrl.u32 s5, $0x3;
	s7 =	sshrl.u32 s7, $0x2  }
0xb: {  	s20 =	smax.u32 s0, $0x1;
	s0 =	simm.s32 $0x0;
	s2 =	sshrl.u32 s2, $0x3  }
0xc: {  	s2 =	sadd.s32 s2, s4;
	s4 =	sadd.s32 s5, s4;
	s5 =	sadd.s32 s7, s3  }
0xd: {  	s23 =	sadd.s32 $0x2000, s5;
	s24 =	sadd.s32 $0x4000, s5;
	s25 =	sadd.s32 $0x6000, s5  }
0xe: {  	s26 =	sadd.s32 $0x8000, s5;
	s10 =	sadd.s32 $0xA000, s5;
	s11 =	sadd.s32 $0xC000, s5  }
0xf: {  	s12 =	sadd.s32 $0xE000, s5;
	s13 =	sadd.s32 $0x10000, s5;
	s14 =	sadd.s32 $0x12000, s5  }
.Ltmp0:
0x10: {  	s15 =	sadd.s32 $0x15C00, s2;
	[dreg:$0x4] =	wrdreg s23;
	(pc) =	sbr.rel .LBB2_1-.Ltmp0, $4  }
0x11: {  	s16 =	sadd.s32 $0x1C00, s2;
	s17 =	sadd.s32 $0x16100, s2;
	[dreg:$0x5] =	wrdreg s24  }
0x12: {  	s18 =	sadd.s32 $0x2100, s2;
	s19 =	sadd.s32 $0x29C00, s4;
	[dreg:$0x6] =	wrdreg s25  }
0x13: {  	s2 =	simm.s32 $0x1;
	[dreg:$0x7] =	wrdreg s26;
	s23 =	simm.s32 $0x40  }
0x14: {  	v0 =	vimm.f32 $0.0e+00;
	s24 =	simm.s32 $0x80;
	s25 =	simm.s32 $0x7000;
	s26 =	simm.s32 $0x3  }
.LBB2_19:
0x15: {  	_ =	swait.ge [sflag:s29], $0x2000;
	s4 =	stileid.u32  }
0x16: {  	s6 =	sshrl.u32 s5, $0x3;
	s0 =	sadd.s32 $0x1, s0;
	[sflag:s29] =	ssyncset.done $0x0  }
0x17: {  	s4 =	sshll.u32 s4, $0x6;
	p0 =	sne.s32 s0, s20;
	[sflag:s29] =	ssyncadd.s32 $0xFFFFE000  }
.Ltmp1:
0x18: {  	s4 =	sor.u32 $0x1C07, s4;
	[bflag:$0x0] =	sbarrier.arrive $0xFFFF;
	(pc) =	sbr.rel @!p0 .LBB2_20-.Ltmp1, $4  }
0x19: {  	[hbm:s19], [sflag:s4] =	dma.local [spmem:s6], $0x2800  }
0x1a: {  	_ =	swait.ge [sflag:s22], $0x2800  }
0x1b: {  	[sflag:s22] =	ssyncset.done $0x0  }
0x1c: {  	[sflag:s22] =	ssyncadd.s32 $0xFFFFD800  }
.LBB2_1:
0x1d: {  	s6 =	simm.s32 $0x0  }
0x1e: {  	s4 =	sand.u32 $0x7E00, s6  }
0x1f: {  	s6 =	sand.u32 $0x70, s6;
	s7 =	sshrl.u32 s4, $0x2  }
0x20: {  	s4 =	simm.s32 $0x40;
	s7 =	sor.u32 s6, s7;
	s6 =	simm.s32 $0x0  }
.LBB2_2:
0x21: {  	p0 =	sne.s32 s4, $0x7FC0  }
0x22: {  	[tilespmem:s7+$0x5000] =	vst v0;
	s6 =	sadd.s32 $0x10, s6;
	s7 =	smov.u32 s4;
	s4 =	sadd.s32 $0x40, s4  }
.Ltmp2:
0x23: {  	(pc) =	sbr.rel @p0 .LBB2_2-.Ltmp2, $4  }
0x24: {  	_ = 	snop  }
0x25: {  	s7 =	sand.u32 $0x7E00, s7  }
0x26: {  	s8 =	sand.u32 $0x70, s6;
	s7 =	sshrl.u32 s7, $0x2  }
0x27: {  	s7 =	sor.u32 s8, s7  }
0x28: {  	[tilespmem:s7+$0x5000] =	vst v0  }
0x29: {  	[spmem:s5] =	stream.linear.scatter [tilespmem:s21], [sflag:$0x7], $0x2000, $0x38;
	[tilespmem:$0x1F000] =	vst v63  }
0x2a: {  	_ =	swait.ge [sflag:s22], $0x2000  }
0x2b: {  	[sflag:s22] =	ssyncset.done $0x0  }
0x2c: {  	s4 =	rddreg [dreg:$0x4];
	[sflag:s22] =	ssyncadd.s32 $0xFFFFE000  }
0x2d: {  	[spmem:s4] =	stream.linear.scatter [tilespmem:s21], [sflag:$0x7], $0x2000, $0x38;
	[tilespmem:$0x1F000] =	vst v63  }
0x2e: {  	_ =	swait.ge [sflag:s22], $0x2000  }
0x2f: {  	[sflag:s22] =	ssyncset.done $0x0  }
0x30: {  	s7 =	rddreg [dreg:$0x5];
	[sflag:s22] =	ssyncadd.s32 $0xFFFFE000  }
0x31: {  	[spmem:s7] =	stream.linear.scatter [tilespmem:s21], [sflag:$0x7], $0x2000, $0x38;
	[tilespmem:$0x1F000] =	vst v63  }
0x32: {  	_ =	swait.ge [sflag:s22], $0x2000  }
0x33: {  	[sflag:s22] =	ssyncset.done $0x0  }
0x34: {  	s8 =	rddreg [dreg:$0x6];
	[sflag:s22] =	ssyncadd.s32 $0xFFFFE000  }
0x35: {  	[spmem:s8] =	stream.linear.scatter [tilespmem:s21], [sflag:$0x7], $0x2000, $0x38;
	[tilespmem:$0x1F000] =	vst v63  }
0x36: {  	_ =	swait.ge [sflag:s22], $0x2000  }
0x37: {  	[sflag:s22] =	ssyncset.done $0x0  }
0x38: {  	s9 =	rddreg [dreg:$0x7];
	[sflag:s22] =	ssyncadd.s32 $0xFFFFE000  }
0x39: {  	[spmem:s9] =	stream.linear.scatter [tilespmem:s21], [sflag:$0x7], $0x2000, $0x38;
	[tilespmem:$0x1F000] =	vst v63  }
0x3a: {  	_ =	swait.ge [sflag:s22], $0x2000  }
0x3b: {  	[sflag:s22] =	ssyncset.done $0x0  }
0x3c: {  	[sflag:s22] =	ssyncadd.s32 $0xFFFFE000  }
0x3d: {  	[spmem:s10] =	stream.linear.scatter [tilespmem:s21], [sflag:$0x7], $0x2000, $0x38;
	[tilespmem:$0x1F000] =	vst v63  }
0x3e: {  	_ =	swait.ge [sflag:s22], $0x2000  }
0x3f: {  	[sflag:s22] =	ssyncset.done $0x0  }
0x40: {  	[sflag:s22] =	ssyncadd.s32 $0xFFFFE000  }
0x41: {  	[spmem:s11] =	stream.linear.scatter [tilespmem:s21], [sflag:$0x7], $0x2000, $0x38;
	[tilespmem:$0x1F000] =	vst v63  }
0x42: {  	_ =	swait.ge [sflag:s22], $0x2000  }
0x43: {  	[sflag:s22] =	ssyncset.done $0x0  }
0x44: {  	[sflag:s22] =	ssyncadd.s32 $0xFFFFE000  }
0x45: {  	[spmem:s12] =	stream.linear.scatter [tilespmem:s21], [sflag:$0x7], $0x2000, $0x38;
	[tilespmem:$0x1F000] =	vst v63  }
0x46: {  	_ =	swait.ge [sflag:s22], $0x2000  }
0x47: {  	[sflag:s22] =	ssyncset.done $0x0  }
0x48: {  	[sflag:s22] =	ssyncadd.s32 $0xFFFFE000  }
0x49: {  	[spmem:s13] =	stream.linear.scatter [tilespmem:s21], [sflag:$0x7], $0x2000, $0x38;
	[tilespmem:$0x1F000] =	vst v63  }
0x4a: {  	_ =	swait.ge [sflag:s22], $0x2000  }
0x4b: {  	[sflag:s22] =	ssyncset.done $0x0  }
0x4c: {  	[sflag:s22] =	ssyncadd.s32 $0xFFFFE000  }
0x4d: {  	[spmem:s14] =	stream.linear.scatter [tilespmem:s21], [sflag:$0x7], $0x2000, $0x38;
	[tilespmem:$0x1F000] =	vst v63  }
0x4e: {  	_ =	swait.ge [sflag:s22], $0x2000  }
0x4f: {  	[sflag:s22] =	ssyncset.done $0x0  }
0x50: {  	[sflag:s22] =	ssyncadd.s32 $0xFFFFE000  }
0x51: {  	s4 =	simm.s32 $0x0;
	[bflag:$0x0] =	sbarrier.arrive $0xFFFF  }
0x52: {  	[tilespmem:s4], [sflag:$0x7] =	stream.linear.gather [hbm4b:s15+s4], $0x2800, $0x38;
	[tilespmem:$0x1F000] =	vst v63  }
0x53: {  	_ =	swait.ge [sflag:s22], $0x2800  }
0x54: {  	[sflag:s22] =	ssyncset.done $0x0  }
0x55: {  	s6 =	simm.s32 $0x2800;
	[sflag:s22] =	ssyncadd.s32 $0xFFFFD800  }
0x56: {  	[tilespmem:s6], [sflag:$0x7] =	stream.linear.gather [hbm4b:s16+s4], $0x2800, $0x38;
	[tilespmem:$0x1F000] =	vst v63  }
0x57: {  	_ =	swait.ge [sflag:s22], $0x2800  }
.Ltmp3:
0x58: {  	[sflag:s22] =	ssyncset.done $0x0;
	(pc) =	sbr.rel .LBB2_4-.Ltmp3, $4  }
0x59: {  	[sflag:s22] =	ssyncadd.s32 $0xFFFFD800  }
0x5a: {  	[tilespmem:s21], [sflag:$0x1] =	stream.indirect.gather [hbm4b:s1+s23], $0x80, s4, s23, $0xb8;
	[tilespmem:$0x1F000] =	vst v63  }
0x5b: {  	s7 =	simm.s32 $0x100  }
0x5c: {  	[tilespmem:s25], [sflag:$0x2] =	stream.indirect.gather [hbm4b:s1+s23], $0x80, s24, s23, $0xb8;
	[tilespmem:$0x1F000] =	vst v63  }
.LBB2_9:
0x5d: {  	_ =	swait.ge [sflag:s26], $0x2000  }
0x5e: {  	[sflag:s26] =	ssyncset.done $0x0  }
0x5f: {  	[sflag:s26] =	ssyncadd.s32 $0xFFFFE000  }
0x60: {  	[spmem:s3] =	stream.indirect.scatter.add.f32 [tilespmem:s28], [sflag:$0x6], $0x80, s6, s23, $0xb8;
	[tilespmem:$0x1F000] =	vst v63  }
0x61: {  	_ =	swait.ge [sflag:s29], $0x2000  }
0x62: {  	p0 =	sgt.u32 s4, $0x4D;
	[sflag:s29] =	ssyncset.done $0x0  }
0x63: {  	s8 =	simm.s32 @!p0 $0x40;
	s9 =	simm.s32 @!p0 $0x7000;
	[sflag:s29] =	ssyncadd.s32 $0xFFFFE000  }
0x64: {  	[tilespmem:s9], [sflag:$0x2] =	stream.indirect.gather @!p0 [hbm4b:s1+s8], $0x80, s7, s8, $0xb8;
	[tilespmem:$0x1F000] =	vst v63  }
.LBB2_10:
0x65: {  	s4 =	sadd.s32 $0x1, s4  }
0x66: {  	p0 =	sne.s32 s4, $0x50  }
.Ltmp4:
0x67: {  	_ = 	snop;
	(pc) =	sbr.rel @!p0 .LBB2_11-.Ltmp4, $2  }
0x68: {  	_ =	sdelay $0x2  }
0x69: {  	s7 =	sadd.s32 $0x80, s7;
	s6 =	sadd.s32 $0x80, s6  }
.LBB2_4:
0x6a: {  	s8 =	smul.u32 $0xAB, s4;
	_ =	sdelay $0x1  }
0x6b: {  	s8 =	sshrl.u32 s8, $0x9  }
0x6c: {  	s8 =	sand.u32 $0x7F, s8  }
0x6d: {  	s8 =	smul.u32 $0x3, s8;
	_ =	sdelay $0x1  }
0x6e: {  	s8 =	ssub.s32 s4, s8  }
0x6f: {  	s8 =	sand.u32 $0xFF, s8  }
0x70: {  	p0 =	seq.s32 s8, $0x2  }
.Ltmp5:
0x71: {  	_ = 	snop;
	(pc) =	sbr.rel @p0 .LBB2_9-.Ltmp5, $1  }
0x72: {  	_ =	sdelay $0x3  }
0x73: {  	p0 =	seq.s32 s8, $0x1  }
.Ltmp6:
0x74: {  	_ = 	snop;
	(pc) =	sbr.rel @!p0 .LBB2_6-.Ltmp6, $1  }
0x75: {  	_ =	sdelay $0x3  }
0x76: {  	_ =	swait.ge [sflag:s30], $0x2000  }
0x77: {  	[sflag:s30] =	ssyncset.done $0x0  }
0x78: {  	[sflag:s30] =	ssyncadd.s32 $0xFFFFE000  }
0x79: {  	[spmem:s3] =	stream.indirect.scatter.add.f32 [tilespmem:s25], [sflag:$0x5], $0x80, s6, s23, $0xb8;
	[tilespmem:$0x1F000] =	vst v63  }
.Ltmp7:
0x7a: {  	_ = 	snop;
	(pc) =	sbr.rel .LBB2_10-.Ltmp7, $4  }
0x7b: {  	_ =	swait.ge [sflag:s31], $0x2000  }
0x7c: {  	p0 =	sgt.u32 s4, $0x4D;
	[sflag:s31] =	ssyncset.done $0x0  }
0x7d: {  	s8 =	simm.s32 @!p0 $0x40;
	s9 =	simm.s32 @!p0 $0x5000;
	[sflag:s31] =	ssyncadd.s32 $0xFFFFE000  }
0x7e: {  	[tilespmem:s9], [sflag:$0x1] =	stream.indirect.gather @!p0 [hbm4b:s1+s8], $0x80, s7, s8, $0xb8;
	[tilespmem:$0x1F000] =	vst v63  }
.LBB2_6:
0x7f: {  	p0 =	seq.s32 s4, $0x0  }
0x80: {  	_ =	swait.ge [sflag:s2], $0x2000;
	p1 =	sgt.u32 @!p0 s4, $0x4D  }
0x81: {  	[sflag:s2] =	ssyncset.done $0x0;
	p1 =	por p0, !p1  }
.Ltmp8:
0x82: {  	s8 =	simm.s32 @!p0 $0x6;
	[sflag:s2] =	ssyncadd.s32 $0xFFFFE000;
	(pc) =	sbr.rel @!p1 .LBB2_10-.Ltmp8, $4  }
0x83: {  	[spmem:s3] =	stream.indirect.scatter.add.f32 [tilespmem:s21], [sflag:$0x4], $0x80, s6, s23, $0xb8;
	[tilespmem:$0x1F000] =	vst v63  }
0x84: {  	_ =	swait.ge @!p0 [sflag:s8], $0x2000  }
0x85: {  	[sflag:s8] =	ssyncset.done @!p0 $0x0  }
0x86: {  	[sflag:s8] =	ssyncadd.s32 @!p0 $0xFFFFE000  }
.Ltmp9:
0x87: {  	(pc) =	sbr.rel .LBB2_10-.Ltmp9, $2  }
0x88: {  	_ =	sdelay $0x2  }
0x89: {  	[tilespmem:s28], [sflag:$0x3] =	stream.indirect.gather [hbm4b:s1+s23], $0x80, s7, s23, $0xb8;
	[tilespmem:$0x1F000] =	vst v63  }
.LBB2_11:
0x8a: {  	_ =	swait.ge [sflag:s29], $0x2000  }
0x8b: {  	[sflag:s29] =	ssyncset.done $0x0  }
0x8c: {  	s4 =	simm.s32 $0x0;
	[sflag:s29] =	ssyncadd.s32 $0xFFFFE000  }
0x8d: {  	[tilespmem:s4], [sflag:$0x7] =	stream.linear.gather [hbm4b:s17+s4], $0x2800, $0x38;
	[tilespmem:$0x1F000] =	vst v63  }
0x8e: {  	_ =	swait.ge [sflag:s22], $0x2800  }
0x8f: {  	[sflag:s22] =	ssyncset.done $0x0  }
0x90: {  	s6 =	simm.s32 $0x2800;
	[sflag:s22] =	ssyncadd.s32 $0xFFFFD800  }
0x91: {  	[tilespmem:s6], [sflag:$0x7] =	stream.linear.gather [hbm4b:s18+s4], $0x2800, $0x38;
	[tilespmem:$0x1F000] =	vst v63  }
0x92: {  	_ =	swait.ge [sflag:s22], $0x2800  }
.Ltmp10:
0x93: {  	[sflag:s22] =	ssyncset.done $0x0;
	(pc) =	sbr.rel .LBB2_12-.Ltmp10, $4  }
0x94: {  	[sflag:s22] =	ssyncadd.s32 $0xFFFFD800  }
0x95: {  	[tilespmem:s21], [sflag:$0x1] =	stream.indirect.gather [hbm4b:s1+s23], $0x80, s4, s23, $0xb8;
	[tilespmem:$0x1F000] =	vst v63  }
0x96: {  	s7 =	simm.s32 $0x100  }
0x97: {  	[tilespmem:s25], [sflag:$0x2] =	stream.indirect.gather [hbm4b:s1+s23], $0x80, s24, s23, $0xb8;
	[tilespmem:$0x1F000] =	vst v63  }
.LBB2_17:
0x98: {  	_ =	swait.ge [sflag:s26], $0x2000  }
0x99: {  	[sflag:s26] =	ssyncset.done $0x0  }
0x9a: {  	[sflag:s26] =	ssyncadd.s32 $0xFFFFE000  }
0x9b: {  	[spmem:s3] =	stream.indirect.scatter.add.f32 [tilespmem:s28], [sflag:$0x6], $0x80, s6, s23, $0xb8;
	[tilespmem:$0x1F000] =	vst v63  }
0x9c: {  	_ =	swait.ge [sflag:s29], $0x2000  }
0x9d: {  	p0 =	sgt.u32 s4, $0x4D;
	[sflag:s29] =	ssyncset.done $0x0  }
0x9e: {  	s8 =	simm.s32 @!p0 $0x40;
	s9 =	simm.s32 @!p0 $0x7000;
	[sflag:s29] =	ssyncadd.s32 $0xFFFFE000  }
0x9f: {  	[tilespmem:s9], [sflag:$0x2] =	stream.indirect.gather @!p0 [hbm4b:s1+s8], $0x80, s7, s8, $0xb8;
	[tilespmem:$0x1F000] =	vst v63  }
.LBB2_18:
0xa0: {  	s4 =	sadd.s32 $0x1, s4  }
0xa1: {  	p0 =	sne.s32 s4, $0x50  }
.Ltmp11:
0xa2: {  	_ = 	snop;
	(pc) =	sbr.rel @!p0 .LBB2_19-.Ltmp11, $2  }
0xa3: {  	_ =	sdelay $0x2  }
0xa4: {  	s7 =	sadd.s32 $0x80, s7;
	s6 =	sadd.s32 $0x80, s6  }
.LBB2_12:
0xa5: {  	s8 =	smul.u32 $0xAB, s4;
	_ =	sdelay $0x1  }
0xa6: {  	s8 =	sshrl.u32 s8, $0x9  }
0xa7: {  	s8 =	sand.u32 $0x7F, s8  }
0xa8: {  	s8 =	smul.u32 $0x3, s8;
	_ =	sdelay $0x1  }
0xa9: {  	s8 =	ssub.s32 s4, s8  }
0xaa: {  	s8 =	sand.u32 $0xFF, s8  }
0xab: {  	p0 =	seq.s32 s8, $0x2  }
.Ltmp12:
0xac: {  	_ = 	snop;
	(pc) =	sbr.rel @p0 .LBB2_17-.Ltmp12, $1  }
0xad: {  	_ =	sdelay $0x3  }
0xae: {  	p0 =	seq.s32 s8, $0x1  }
.Ltmp13:
0xaf: {  	_ = 	snop;
	(pc) =	sbr.rel @!p0 .LBB2_14-.Ltmp13, $1  }
0xb0: {  	_ =	sdelay $0x3  }
0xb1: {  	_ =	swait.ge [sflag:s30], $0x2000  }
0xb2: {  	[sflag:s30] =	ssyncset.done $0x0  }
0xb3: {  	[sflag:s30] =	ssyncadd.s32 $0xFFFFE000  }
0xb4: {  	[spmem:s3] =	stream.indirect.scatter.add.f32 [tilespmem:s25], [sflag:$0x5], $0x80, s6, s23, $0xb8;
	[tilespmem:$0x1F000] =	vst v63  }
.Ltmp14:
0xb5: {  	_ = 	snop;
	(pc) =	sbr.rel .LBB2_18-.Ltmp14, $4  }
0xb6: {  	_ =	swait.ge [sflag:s31], $0x2000  }
0xb7: {  	p0 =	sgt.u32 s4, $0x4D;
	[sflag:s31] =	ssyncset.done $0x0  }
0xb8: {  	s8 =	simm.s32 @!p0 $0x40;
	s9 =	simm.s32 @!p0 $0x5000;
	[sflag:s31] =	ssyncadd.s32 $0xFFFFE000  }
0xb9: {  	[tilespmem:s9], [sflag:$0x1] =	stream.indirect.gather @!p0 [hbm4b:s1+s8], $0x80, s7, s8, $0xb8;
	[tilespmem:$0x1F000] =	vst v63  }
.LBB2_14:
0xba: {  	p0 =	seq.s32 s4, $0x0  }
0xbb: {  	_ =	swait.ge [sflag:s2], $0x2000;
	p1 =	sgt.u32 @!p0 s4, $0x4D  }
0xbc: {  	[sflag:s2] =	ssyncset.done $0x0;
	p1 =	por p0, !p1  }
.Ltmp15:
0xbd: {  	s8 =	simm.s32 @!p0 $0x6;
	[sflag:s2] =	ssyncadd.s32 $0xFFFFE000;
	(pc) =	sbr.rel @!p1 .LBB2_18-.Ltmp15, $4  }
0xbe: {  	[spmem:s3] =	stream.indirect.scatter.add.f32 [tilespmem:s21], [sflag:$0x4], $0x80, s6, s23, $0xb8;
	[tilespmem:$0x1F000] =	vst v63  }
0xbf: {  	_ =	swait.ge @!p0 [sflag:s8], $0x2000  }
0xc0: {  	[sflag:s8] =	ssyncset.done @!p0 $0x0  }
0xc1: {  	[sflag:s8] =	ssyncadd.s32 @!p0 $0xFFFFE000  }
.Ltmp16:
0xc2: {  	(pc) =	sbr.rel .LBB2_18-.Ltmp16, $2  }
0xc3: {  	_ =	sdelay $0x2  }
0xc4: {  	[tilespmem:s28], [sflag:$0x3] =	stream.indirect.gather [hbm4b:s1+s23], $0x80, s7, s23, $0xb8;
	[tilespmem:$0x1F000] =	vst v63  }
.LBB2_20:
0xc5: {  	_ =	sfence.sel $0x180000  }
0xc6: {  	[bflag:$0x0] =	sbarrier.arrive $0xFFFF  }
0xc7: {  	_ =	strace $0x9000004A  }
0xc8: {  	s0 =	stileid.u32;
	[bflag:$0x2] =	sbarrier.arrive $0xFFFF  }
0xc9: {  	p0 =	sne.s32 s0, $0x0;
	s0 =	rddreg [dreg:$0x3]  }
0xca: {  	s0 =	sadd.s32 @!p0 $0x100000, s0  }
0xcb: {  	[sflag:s0] =	ssyncadd.tile.s32 @!p0 $0x1;
	_ =	shalt  }
.Lfunc_end2:
_tile_overlayer_lowered:
.L_overlay_start_2:
0xcc: {  	(tag) =	ssettag $0x2  }
0xcd: {  	s0 =	rddreg [dreg:$0x0];
	s2 =	stileid.u32  }
0xce: {  	s1 =	rddreg [dreg:$0x1];
	p0 =	sne.s32 s2, $0x0  }
0xcf: {  	s3 =	rddreg [dreg:$0x2];
	[bflag:$0x3] =	sbarrier.arrive $0xFFFF;
	s2 =	simm.s32 @!p0 $0x1C07  }
0xd0: {  	[timem:s3], [sflag:s2] =	dma.local @!p0 [hbm:s0], s1  }
0xd1: {  	s0 =	simm.s32 @!p0 $0x7  }
0xd2: {  	_ =	swait.ge @!p0 [sflag:s0], s1  }
0xd3: {  	s1 =	ssub.s32 @!p0 $0x0, s1;
	[sflag:s0] =	ssyncset.done @!p0 $0x0  }
0xd4: {  	[sflag:s0] =	ssyncadd.s32 @!p0 s1  }
0xd5: {  	[bflag:$0x3] =	sbarrier.arrive $0xFFFF  }
0xd6: {  	_ =	shalt  }

</sc_bundles>
